<compile_context>
chip_gen: v7x
topology: tpu7x:2x2x1
jax: 0.10.2.dev20260603
libtpu: 0.0.44.dev20260713+nightly
codegen_flags: <defaults>
</compile_context>

<pallas_src>
import functools

import jax
import jax.numpy as jnp
from jax import lax
from jax.experimental import pallas as pl
from jax.experimental.pallas import tpu as pltpu
from jax.experimental.pallas import tpu_sc as plsc

E = 8
TOPK = 2
H = 1024
FF = 4096
T = 256
FFB = 1024
NF = FF // FFB

L = 16
NG = T // L
NC = 2


def _logits_t_body(x_ref, wg_ref, out_ref):
    out_ref[...] = jnp.dot(x_ref[...], wg_ref[...],
                           preferred_element_type=jnp.float32).T


def _sc_router_body(logits_hbm, comb_hbm, lv, cv, sem):
    wid = lax.axis_index("s") * NC + lax.axis_index("c")

    @pl.when(wid < NG)
    def _():
        pltpu.sync_copy(logits_hbm, lv)
        cols = [lv[pl.ds(e * T + wid * L, L)] for e in range(E)]
        m = cols[0]
        for e in range(1, E):
            m = jnp.maximum(m, cols[e])
        ex = [jnp.exp(c - m) for c in cols]
        s = ex[0]
        for e in range(1, E):
            s = s + ex[e]
        probs = [v / s for v in ex]
        m1 = probs[0]
        for e in range(1, E):
            m1 = jnp.maximum(m1, probs[e])
        i1 = jnp.full((L,), E, jnp.int32)
        for e in reversed(range(E)):
            i1 = jnp.where(probs[e] == m1, e, i1)
        p2 = [jnp.where(i1 == e, -1.0, probs[e]) for e in range(E)]
        m2 = p2[0]
        for e in range(1, E):
            m2 = jnp.maximum(m2, p2[e])
        i2 = jnp.full((L,), E, jnp.int32)
        for e in reversed(range(E)):
            i2 = jnp.where(p2[e] == m2, e, i2)
        inv = 1.0 / (m1 + m2)
        for e in range(E):
            cv[pl.ds(e * L, L)] = (jnp.where(i1 == e, m1, 0.0)
                                   + jnp.where(i2 == e, m2, 0.0)) * inv
        copies = [pltpu.async_copy(cv.at[pl.ds(e * L, L)],
                                   comb_hbm.at[pl.ds(e * T + wid * L, L)],
                                   sem)
                  for e in range(E)]
        for c in copies:
            c.wait()


def _moe_body(xb_ref, comb_t_ref, w1_ref, w3_ref, w2_ref, out_ref, comb_ref):
    e = pl.program_id(0)
    f = pl.program_id(1)

    @pl.when(jnp.logical_and(e == 0, f == 0))
    def _():
        out_ref[...] = jnp.zeros((T, H), jnp.float32)
        comb_ref[...] = comb_t_ref[...].T

    xb = xb_ref[...]
    w1b = w1_ref[0].astype(jnp.bfloat16)
    w3b = w3_ref[0].astype(jnp.bfloat16)
    g = jnp.dot(xb, w1b, preferred_element_type=jnp.float32)
    u = jnp.dot(xb, w3b, preferred_element_type=jnp.float32)
    h = (g * jax.nn.sigmoid(g)) * u
    w2b = w2_ref[0].astype(jnp.bfloat16)
    y = jnp.dot(h.astype(jnp.bfloat16), w2b, preferred_element_type=jnp.float32)
    lane = lax.broadcasted_iota(jnp.int32, (T, E), 1)
    comb_col = jnp.sum(jnp.where(lane == e, comb_ref[...], 0.0), axis=-1,
                       keepdims=True)
    out_ref[...] += comb_col * y


@jax.jit
def kernel(hidden_states, w_gate, w1, w3, w2):
    logits_t = pl.pallas_call(
        _logits_t_body,
        in_specs=[pl.BlockSpec((T, H), lambda: (0, 0)),
                  pl.BlockSpec((H, E), lambda: (0, 0))],
        out_specs=pl.BlockSpec((E, T), lambda: (0, 0)),
        out_shape=jax.ShapeDtypeStruct((E, T), jnp.float32),
    )(hidden_states, w_gate)

    sc_router = pl.kernel(
        _sc_router_body,
        out_type=jax.ShapeDtypeStruct((E * T,), jnp.float32),
        mesh=plsc.VectorSubcoreMesh(core_axis_name="c", subcore_axis_name="s"),
        scratch_types=[pltpu.VMEM((E * T,), jnp.float32),
                       pltpu.VMEM((E * L,), jnp.float32),
                       pltpu.SemaphoreType.DMA],
    )
    combine_t = jnp.reshape(sc_router(jnp.reshape(logits_t, (E * T,))), (E, T))

    xb = hidden_states.astype(jnp.bfloat16)
    return pl.pallas_call(
        _moe_body,
        grid=(E, NF),
        in_specs=[
            pl.BlockSpec((T, H), lambda e, f: (0, 0)),
            pl.BlockSpec((E, T), lambda e, f: (0, 0)),
            pl.BlockSpec((1, H, FFB), lambda e, f: (e, 0, f)),
            pl.BlockSpec((1, H, FFB), lambda e, f: (e, 0, f)),
            pl.BlockSpec((1, FFB, H), lambda e, f: (e, f, 0)),
        ],
        out_specs=pl.BlockSpec((T, H), lambda e, f: (0, 0)),
        out_shape=jax.ShapeDtypeStruct((T, H), jnp.float32),
        scratch_shapes=[pltpu.VMEM((T, E), jnp.float32)],
        compiler_params=pltpu.CompilerParams(
            dimension_semantics=("arbitrary", "arbitrary")),
    )(xb, combine_t, w1, w3, w2)

# --- scband reference (transcript-rebuilt; emitter-appended) ---
"""Pipeline reference for scband-mixtral-for-causal-lm-2087354105881 (READ-ONLY COPY).

The authoritative reference and input builder live on the scoring server;
editing this copy changes nothing except your own understanding.
"""

import jax, jax.numpy as jnp
import numpy as np

E = 8
TOPK = 2
H = 1024
FF = 4096
T = 256  # batch=64 * q_len=4 decode tokens


def setup_inputs(seed: int = 0) -> dict:
    key = jax.random.key(seed)
    ks = jax.random.split(key, 5)
    hidden_states = jax.random.normal(ks[0], (T, H), dtype=jnp.float32)
    w_gate = jax.random.normal(ks[1], (H, E), dtype=jnp.float32) * 0.02
    w1 = jax.random.normal(ks[2], (E, H, FF), dtype=jnp.float32) * 0.02
    w3 = jax.random.normal(ks[3], (E, H, FF), dtype=jnp.float32) * 0.02
    w2 = jax.random.normal(ks[4], (E, FF, H), dtype=jnp.float32) * 0.02
    return {"hidden_states": hidden_states, "w_gate": w_gate, "w1": w1, "w3": w3, "w2": w2}


def reference(hidden_states, w_gate, w1, w3, w2):
    # MixtralMoE: gate -> softmax -> top_k -> renormalize -> fused SwiGLU experts -> combine
    x = hidden_states
    router_logits = x @ w_gate  # [T, E]
    probs = jax.nn.softmax(router_logits.astype(jnp.float32), axis=-1)
    topk_w, topk_idx = jax.lax.top_k(probs, TOPK)  # [T, K]
    # renormalize=True in FusedMoE
    topk_w = topk_w / jnp.sum(topk_w, axis=-1, keepdims=True)
    # build combine weights via scatter-add (SparseCore-style combine)
    tok = jnp.arange(x.shape[0])[:, None]
    combine = jnp.zeros((x.shape[0], E), dtype=x.dtype).at[tok, topk_idx].add(topk_w)
    out = jnp.zeros_like(x)
    for e in range(E):
        h = jax.nn.silu(x @ w1[e]) * (x @ w3[e])
        out = out + combine[:, e:e + 1] * (h @ w2[e])
    return out

if __name__ == "__main__":
    import jax
    _d = setup_inputs()
    print(jax.jit(kernel)(*tuple(_d.values())))

</pallas_src>

<mosaic_0001>
#map = affine_map<(d0, d1) -> (0)>
module attributes {stable_mosaic.version = 14 : i64} {
  func.func @_sc_router_body(%arg0: i32, %arg1: i32, %arg2: memref<2048xf32, #tpu.memory_space<hbm>>, %arg3: memref<2048xf32, #tpu.memory_space<hbm>>, %arg4: memref<2048xf32, #tpu.memory_space<vmem>>, %arg5: memref<128xf32, #tpu.memory_space<vmem>>, %arg6: memref<!tpu.dma_semaphore, #tpu.memory_space<semaphore_mem>>) attributes {dimension_semantics = [#tpu.dimension_semantics<core_parallel>, #tpu.dimension_semantics<subcore_parallel>], iteration_bounds = array<i64: 2, 16>, scalar_prefetch = 0 : i64, scratch_operands = 3 : i64, tpu.core_type = #tpu.core_type<sc_vector_subcore>, window_params = [{transform_indices = #map}, {transform_indices = #map}]} {
    %mul3A = arith.constant 2 : i32
    %mul3A_0 = arith.muli %arg1, %mul3A : i32
    %add3A = arith.addi %mul3A_0, %arg0 : i32
    %lt3A = arith.constant 16 : i32
    %lt3A_1 = arith.cmpi slt, %add3A, %lt3A : i32
    %convert_element_type3A = arith.extui %lt3A_1 : i1 to i32
    %cond3A = arith.constant 0 : i32
    %cond3A_2 = arith.cmpi ne, %convert_element_type3A, %cond3A : i32
    scf.if %cond3A_2 {
      "tpu.region"() ({
        %run_scoped3A = tpu.sem_alloc : memref<!tpu.dma_semaphore, #tpu.memory_space<semaphore_mem>>
        tpu.enqueue_dma source(%arg2 : memref<2048xf32, #tpu.memory_space<hbm>>) target(%arg4 : memref<2048xf32, #tpu.memory_space<vmem>>) target_semaphore(%run_scoped3A : memref<!tpu.dma_semaphore, #tpu.memory_space<semaphore_mem>>)
        tpu.wait_dma2 semaphore(%run_scoped3A : memref<!tpu.dma_semaphore, #tpu.memory_space<semaphore_mem>>) src(%arg2 : memref<2048xf32, #tpu.memory_space<hbm>>) dst(%arg4 : memref<2048xf32, #tpu.memory_space<vmem>>)
        tpu.yield
      }) : () -> ()
      %mul3A_3 = arith.constant 16 : i32
      %mul3A_4 = arith.muli %add3A, %mul3A_3 : i32
      %add3A_5 = arith.constant 0 : i32
      %add3A_6 = arith.addi %add3A_5, %mul3A_4 : i32
      %get3A = arith.index_cast %add3A_6 : i32 to index
      %get3A_7 = tpu.vector_load %arg4[%get3A] {strides = array<i32>} : memref<2048xf32, #tpu.memory_space<vmem>>, vector<16xf32>,
      %get3A_8 = vector.shape_cast %get3A_7 : vector<16xf32> to vector<16xf32>
      %mul3A_9 = arith.constant 16 : i32
      %mul3A_10 = arith.muli %add3A, %mul3A_9 : i32
      %add3A_11 = arith.constant 256 : i32
      %add3A_12 = arith.addi %add3A_11, %mul3A_10 : i32
      %get3A_13 = arith.index_cast %add3A_12 : i32 to index
      %get3A_14 = tpu.vector_load %arg4[%get3A_13] {strides = array<i32>} : memref<2048xf32, #tpu.memory_space<vmem>>, vector<16xf32>,
      %get3A_15 = vector.shape_cast %get3A_14 : vector<16xf32> to vector<16xf32>
      %mul3A_16 = arith.constant 16 : i32
      %mul3A_17 = arith.muli %add3A, %mul3A_16 : i32
      %add3A_18 = arith.constant 512 : i32
      %add3A_19 = arith.addi %add3A_18, %mul3A_17 : i32
      %get3A_20 = arith.index_cast %add3A_19 : i32 to index
      %get3A_21 = tpu.vector_load %arg4[%get3A_20] {strides = array<i32>} : memref<2048xf32, #tpu.memory_space<vmem>>, vector<16xf32>,
      %get3A_22 = vector.shape_cast %get3A_21 : vector<16xf32> to vector<16xf32>
      %mul3A_23 = arith.constant 16 : i32
      %mul3A_24 = arith.muli %add3A, %mul3A_23 : i32
      %add3A_25 = arith.constant 768 : i32
      %add3A_26 = arith.addi %add3A_25, %mul3A_24 : i32
      %get3A_27 = arith.index_cast %add3A_26 : i32 to index
      %get3A_28 = tpu.vector_load %arg4[%get3A_27] {strides = array<i32>} : memref<2048xf32, #tpu.memory_space<vmem>>, vector<16xf32>,
      %get3A_29 = vector.shape_cast %get3A_28 : vector<16xf32> to vector<16xf32>
      %mul3A_30 = arith.constant 16 : i32
      %mul3A_31 = arith.muli %add3A, %mul3A_30 : i32
      %add3A_32 = arith.constant 1024 : i32
      %add3A_33 = arith.addi %add3A_32, %mul3A_31 : i32
      %get3A_34 = arith.index_cast %add3A_33 : i32 to index
      %get3A_35 = tpu.vector_load %arg4[%get3A_34] {strides = array<i32>} : memref<2048xf32, #tpu.memory_space<vmem>>, vector<16xf32>,
      %get3A_36 = vector.shape_cast %get3A_35 : vector<16xf32> to vector<16xf32>
      %mul3A_37 = arith.constant 16 : i32
      %mul3A_38 = arith.muli %add3A, %mul3A_37 : i32
      %add3A_39 = arith.constant 1280 : i32
      %add3A_40 = arith.addi %add3A_39, %mul3A_38 : i32
      %get3A_41 = arith.index_cast %add3A_40 : i32 to index
      %get3A_42 = tpu.vector_load %arg4[%get3A_41] {strides = array<i32>} : memref<2048xf32, #tpu.memory_space<vmem>>, vector<16xf32>,
      %get3A_43 = vector.shape_cast %get3A_42 : vector<16xf32> to vector<16xf32>
      %mul3A_44 = arith.constant 16 : i32
      %mul3A_45 = arith.muli %add3A, %mul3A_44 : i32
      %add3A_46 = arith.constant 1536 : i32
      %add3A_47 = arith.addi %add3A_46, %mul3A_45 : i32
      %get3A_48 = arith.index_cast %add3A_47 : i32 to index
      %get3A_49 = tpu.vector_load %arg4[%get3A_48] {strides = array<i32>} : memref<2048xf32, #tpu.memory_space<vmem>>, vector<16xf32>,
      %get3A_50 = vector.shape_cast %get3A_49 : vector<16xf32> to vector<16xf32>
      %mul3A_51 = arith.constant 16 : i32
      %mul3A_52 = arith.muli %add3A, %mul3A_51 : i32
      %add3A_53 = arith.constant 1792 : i32
      %add3A_54 = arith.addi %add3A_53, %mul3A_52 : i32
      %get3A_55 = arith.index_cast %add3A_54 : i32 to index
      %get3A_56 = tpu.vector_load %arg4[%get3A_55] {strides = array<i32>} : memref<2048xf32, #tpu.memory_space<vmem>>, vector<16xf32>,
      %get3A_57 = vector.shape_cast %get3A_56 : vector<16xf32> to vector<16xf32>
      %max3A = arith.maximumf %get3A_8, %get3A_15 : vector<16xf32>
      %max3A_58 = arith.maximumf %max3A, %get3A_22 : vector<16xf32>
      %max3A_59 = arith.maximumf %max3A_58, %get3A_29 : vector<16xf32>
      %max3A_60 = arith.maximumf %max3A_59, %get3A_36 : vector<16xf32>
      %max3A_61 = arith.maximumf %max3A_60, %get3A_43 : vector<16xf32>
      %max3A_62 = arith.maximumf %max3A_61, %get3A_50 : vector<16xf32>
      %max3A_63 = arith.maximumf %max3A_62, %get3A_57 : vector<16xf32>
      %sub3A = arith.subf %get3A_8, %max3A_63 : vector<16xf32>
      %exp3A = math.exp %sub3A : vector<16xf32>
      %sub3A_64 = arith.subf %get3A_15, %max3A_63 : vector<16xf32>
      %exp3A_65 = math.exp %sub3A_64 : vector<16xf32>
      %sub3A_66 = arith.subf %get3A_22, %max3A_63 : vector<16xf32>
      %exp3A_67 = math.exp %sub3A_66 : vector<16xf32>
      %sub3A_68 = arith.subf %get3A_29, %max3A_63 : vector<16xf32>
      %exp3A_69 = math.exp %sub3A_68 : vector<16xf32>
      %sub3A_70 = arith.subf %get3A_36, %max3A_63 : vector<16xf32>
      %exp3A_71 = math.exp %sub3A_70 : vector<16xf32>
      %sub3A_72 = arith.subf %get3A_43, %max3A_63 : vector<16xf32>
      %exp3A_73 = math.exp %sub3A_72 : vector<16xf32>
      %sub3A_74 = arith.subf %get3A_50, %max3A_63 : vector<16xf32>
      %exp3A_75 = math.exp %sub3A_74 : vector<16xf32>
      %sub3A_76 = arith.subf %get3A_57, %max3A_63 : vector<16xf32>
      %exp3A_77 = math.exp %sub3A_76 : vector<16xf32>
      %add3A_78 = arith.addf %exp3A, %exp3A_65 : vector<16xf32>
      %add3A_79 = arith.addf %add3A_78, %exp3A_67 : vector<16xf32>
      %add3A_80 = arith.addf %add3A_79, %exp3A_69 : vector<16xf32>
      %add3A_81 = arith.addf %add3A_80, %exp3A_71 : vector<16xf32>
      %add3A_82 = arith.addf %add3A_81, %exp3A_73 : vector<16xf32>
      %add3A_83 = arith.addf %add3A_82, %exp3A_75 : vector<16xf32>
      %add3A_84 = arith.addf %add3A_83, %exp3A_77 : vector<16xf32>
      %div3A = arith.divf %exp3A, %add3A_84 : vector<16xf32>
      %div3A_85 = arith.divf %exp3A_65, %add3A_84 : vector<16xf32>
      %div3A_86 = arith.divf %exp3A_67, %add3A_84 : vector<16xf32>
      %div3A_87 = arith.divf %exp3A_69, %add3A_84 : vector<16xf32>
      %div3A_88 = arith.divf %exp3A_71, %add3A_84 : vector<16xf32>
      %div3A_89 = arith.divf %exp3A_73, %add3A_84 : vector<16xf32>
      %div3A_90 = arith.divf %exp3A_75, %add3A_84 : vector<16xf32>
      %div3A_91 = arith.divf %exp3A_77, %add3A_84 : vector<16xf32>
      %max3A_92 = arith.maximumf %div3A, %div3A_85 : vector<16xf32>
      %max3A_93 = arith.maximumf %max3A_92, %div3A_86 : vector<16xf32>
      %max3A_94 = arith.maximumf %max3A_93, %div3A_87 : vector<16xf32>
      %max3A_95 = arith.maximumf %max3A_94, %div3A_88 : vector<16xf32>
      %max3A_96 = arith.maximumf %max3A_95, %div3A_89 : vector<16xf32>
      %max3A_97 = arith.maximumf %max3A_96, %div3A_90 : vector<16xf32>
      %max3A_98 = arith.maximumf %max3A_97, %div3A_91 : vector<16xf32>
      %broadcast_in_dim3A = arith.constant 8 : i32
      %broadcast_in_dim3A_99 = vector.broadcast %broadcast_in_dim3A : i32 to vector<16xi32>
      %eq3A = arith.cmpf oeq, %div3A_91, %max3A_98 : vector<16xf32>
      %jit3A = arith.constant 7 : i32
      %broadcast_in_dim3A_100 = vector.broadcast %jit3A : i32 to vector<16xi32>
      %select_n3A = arith.select %eq3A, %broadcast_in_dim3A_100, %broadcast_in_dim3A_99 : vector<16xi1>, vector<16xi32>
      %eq3A_101 = arith.cmpf oeq, %div3A_90, %max3A_98 : vector<16xf32>
      %jit3A_102 = arith.constant 6 : i32
      %broadcast_in_dim3A_103 = vector.broadcast %jit3A_102 : i32 to vector<16xi32>
      %select_n3A_104 = arith.select %eq3A_101, %broadcast_in_dim3A_103, %select_n3A : vector<16xi1>, vector<16xi32>
      %eq3A_105 = arith.cmpf oeq, %div3A_89, %max3A_98 : vector<16xf32>
      %jit3A_106 = arith.constant 5 : i32
      %broadcast_in_dim3A_107 = vector.broadcast %jit3A_106 : i32 to vector<16xi32>
      %select_n3A_108 = arith.select %eq3A_105, %broadcast_in_dim3A_107, %select_n3A_104 : vector<16xi1>, vector<16xi32>
      %eq3A_109 = arith.cmpf oeq, %div3A_88, %max3A_98 : vector<16xf32>
      %jit3A_110 = arith.constant 4 : i32
      %broadcast_in_dim3A_111 = vector.broadcast %jit3A_110 : i32 to vector<16xi32>
      %select_n3A_112 = arith.select %eq3A_109, %broadcast_in_dim3A_111, %select_n3A_108 : vector<16xi1>, vector<16xi32>
      %eq3A_113 = arith.cmpf oeq, %div3A_87, %max3A_98 : vector<16xf32>
      %jit3A_114 = arith.constant 3 : i32
      %broadcast_in_dim3A_115 = vector.broadcast %jit3A_114 : i32 to vector<16xi32>
      %select_n3A_116 = arith.select %eq3A_113, %broadcast_in_dim3A_115, %select_n3A_112 : vector<16xi1>, vector<16xi32>
      %eq3A_117 = arith.cmpf oeq, %div3A_86, %max3A_98 : vector<16xf32>
      %jit3A_118 = arith.constant 2 : i32
      %broadcast_in_dim3A_119 = vector.broadcast %jit3A_118 : i32 to vector<16xi32>
      %select_n3A_120 = arith.select %eq3A_117, %broadcast_in_dim3A_119, %select_n3A_116 : vector<16xi1>, vector<16xi32>
      %eq3A_121 = arith.cmpf oeq, %div3A_85, %max3A_98 : vector<16xf32>
      %jit3A_122 = arith.constant 1 : i32
      %broadcast_in_dim3A_123 = vector.broadcast %jit3A_122 : i32 to vector<16xi32>
      %select_n3A_124 = arith.select %eq3A_121, %broadcast_in_dim3A_123, %select_n3A_120 : vector<16xi1>, vector<16xi32>
      %eq3A_125 = arith.cmpf oeq, %div3A, %max3A_98 : vector<16xf32>
      %jit3A_126 = arith.constant 0 : i32
      %broadcast_in_dim3A_127 = vector.broadcast %jit3A_126 : i32 to vector<16xi32>
      %select_n3A_128 = arith.select %eq3A_125, %broadcast_in_dim3A_127, %select_n3A_124 : vector<16xi1>, vector<16xi32>
      %eq3A_129 = arith.constant 0 : i32
      %eq3A_130 = vector.broadcast %eq3A_129 : i32 to vector<16xi32>
      %eq3A_131 = arith.cmpi eq, %select_n3A_128, %eq3A_130 : vector<16xi32>
      %jit3A_132 = arith.constant -1.000000e+00 : f32
      %broadcast_in_dim3A_133 = vector.broadcast %jit3A_132 : f32 to vector<16xf32>
      %select_n3A_134 = arith.select %eq3A_131, %broadcast_in_dim3A_133, %div3A : vector<16xi1>, vector<16xf32>
      %eq3A_135 = arith.constant 1 : i32
      %eq3A_136 = vector.broadcast %eq3A_135 : i32 to vector<16xi32>
      %eq3A_137 = arith.cmpi eq, %select_n3A_128, %eq3A_136 : vector<16xi32>
      %jit3A_138 = arith.constant -1.000000e+00 : f32
      %broadcast_in_dim3A_139 = vector.broadcast %jit3A_138 : f32 to vector<16xf32>
      %select_n3A_140 = arith.select %eq3A_137, %broadcast_in_dim3A_139, %div3A_85 : vector<16xi1>, vector<16xf32>
      %eq3A_141 = arith.constant 2 : i32
      %eq3A_142 = vector.broadcast %eq3A_141 : i32 to vector<16xi32>
      %eq3A_143 = arith.cmpi eq, %select_n3A_128, %eq3A_142 : vector<16xi32>
      %jit3A_144 = arith.constant -1.000000e+00 : f32
      %broadcast_in_dim3A_145 = vector.broadcast %jit3A_144 : f32 to vector<16xf32>
      %select_n3A_146 = arith.select %eq3A_143, %broadcast_in_dim3A_145, %div3A_86 : vector<16xi1>, vector<16xf32>
      %eq3A_147 = arith.constant 3 : i32
      %eq3A_148 = vector.broadcast %eq3A_147 : i32 to vector<16xi32>
      %eq3A_149 = arith.cmpi eq, %select_n3A_128, %eq3A_148 : vector<16xi32>
      %jit3A_150 = arith.constant -1.000000e+00 : f32
      %broadcast_in_dim3A_151 = vector.broadcast %jit3A_150 : f32 to vector<16xf32>
      %select_n3A_152 = arith.select %eq3A_149, %broadcast_in_dim3A_151, %div3A_87 : vector<16xi1>, vector<16xf32>
      %eq3A_153 = arith.constant 4 : i32
      %eq3A_154 = vector.broadcast %eq3A_153 : i32 to vector<16xi32>
      %eq3A_155 = arith.cmpi eq, %select_n3A_128, %eq3A_154 : vector<16xi32>
      %jit3A_156 = arith.constant -1.000000e+00 : f32
      %broadcast_in_dim3A_157 = vector.broadcast %jit3A_156 : f32 to vector<16xf32>
      %select_n3A_158 = arith.select %eq3A_155, %broadcast_in_dim3A_157, %div3A_88 : vector<16xi1>, vector<16xf32>
      %eq3A_159 = arith.constant 5 : i32
      %eq3A_160 = vector.broadcast %eq3A_159 : i32 to vector<16xi32>
      %eq3A_161 = arith.cmpi eq, %select_n3A_128, %eq3A_160 : vector<16xi32>
      %jit3A_162 = arith.constant -1.000000e+00 : f32
      %broadcast_in_dim3A_163 = vector.broadcast %jit3A_162 : f32 to vector<16xf32>
      %select_n3A_164 = arith.select %eq3A_161, %broadcast_in_dim3A_163, %div3A_89 : vector<16xi1>, vector<16xf32>
      %eq3A_165 = arith.constant 6 : i32
      %eq3A_166 = vector.broadcast %eq3A_165 : i32 to vector<16xi32>
      %eq3A_167 = arith.cmpi eq, %select_n3A_128, %eq3A_166 : vector<16xi32>
      %jit3A_168 = arith.constant -1.000000e+00 : f32
      %broadcast_in_dim3A_169 = vector.broadcast %jit3A_168 : f32 to vector<16xf32>
      %select_n3A_170 = arith.select %eq3A_167, %broadcast_in_dim3A_169, %div3A_90 : vector<16xi1>, vector<16xf32>
      %eq3A_171 = arith.constant 7 : i32
      %eq3A_172 = vector.broadcast %eq3A_171 : i32 to vector<16xi32>
      %eq3A_173 = arith.cmpi eq, %select_n3A_128, %eq3A_172 : vector<16xi32>
      %jit3A_174 = arith.constant -1.000000e+00 : f32
      %broadcast_in_dim3A_175 = vector.broadcast %jit3A_174 : f32 to vector<16xf32>
      %select_n3A_176 = arith.select %eq3A_173, %broadcast_in_dim3A_175, %div3A_91 : vector<16xi1>, vector<16xf32>
      %max3A_177 = arith.maximumf %select_n3A_134, %select_n3A_140 : vector<16xf32>
      %max3A_178 = arith.maximumf %max3A_177, %select_n3A_146 : vector<16xf32>
      %max3A_179 = arith.maximumf %max3A_178, %select_n3A_152 : vector<16xf32>
      %max3A_180 = arith.maximumf %max3A_179, %select_n3A_158 : vector<16xf32>
      %max3A_181 = arith.maximumf %max3A_180, %select_n3A_164 : vector<16xf32>
      %max3A_182 = arith.maximumf %max3A_181, %select_n3A_170 : vector<16xf32>
      %max3A_183 = arith.maximumf %max3A_182, %select_n3A_176 : vector<16xf32>
      %broadcast_in_dim3A_184 = arith.constant 8 : i32
      %broadcast_in_dim3A_185 = vector.broadcast %broadcast_in_dim3A_184 : i32 to vector<16xi32>
      %eq3A_186 = arith.cmpf oeq, %select_n3A_176, %max3A_183 : vector<16xf32>
      %jit3A_187 = arith.constant 7 : i32
      %broadcast_in_dim3A_188 = vector.broadcast %jit3A_187 : i32 to vector<16xi32>
      %select_n3A_189 = arith.select %eq3A_186, %broadcast_in_dim3A_188, %broadcast_in_dim3A_185 : vector<16xi1>, vector<16xi32>
      %eq3A_190 = arith.cmpf oeq, %select_n3A_170, %max3A_183 : vector<16xf32>
      %jit3A_191 = arith.constant 6 : i32
      %broadcast_in_dim3A_192 = vector.broadcast %jit3A_191 : i32 to vector<16xi32>
      %select_n3A_193 = arith.select %eq3A_190, %broadcast_in_dim3A_192, %select_n3A_189 : vector<16xi1>, vector<16xi32>
      %eq3A_194 = arith.cmpf oeq, %select_n3A_164, %max3A_183 : vector<16xf32>
      %jit3A_195 = arith.constant 5 : i32
      %broadcast_in_dim3A_196 = vector.broadcast %jit3A_195 : i32 to vector<16xi32>
      %select_n3A_197 = arith.select %eq3A_194, %broadcast_in_dim3A_196, %select_n3A_193 : vector<16xi1>, vector<16xi32>
      %eq3A_198 = arith.cmpf oeq, %select_n3A_158, %max3A_183 : vector<16xf32>
      %jit3A_199 = arith.constant 4 : i32
      %broadcast_in_dim3A_200 = vector.broadcast %jit3A_199 : i32 to vector<16xi32>
      %select_n3A_201 = arith.select %eq3A_198, %broadcast_in_dim3A_200, %select_n3A_197 : vector<16xi1>, vector<16xi32>
      %eq3A_202 = arith.cmpf oeq, %select_n3A_152, %max3A_183 : vector<16xf32>
      %jit3A_203 = arith.constant 3 : i32
      %broadcast_in_dim3A_204 = vector.broadcast %jit3A_203 : i32 to vector<16xi32>
      %select_n3A_205 = arith.select %eq3A_202, %broadcast_in_dim3A_204, %select_n3A_201 : vector<16xi1>, vector<16xi32>
      %eq3A_206 = arith.cmpf oeq, %select_n3A_146, %max3A_183 : vector<16xf32>
      %jit3A_207 = arith.constant 2 : i32
      %broadcast_in_dim3A_208 = vector.broadcast %jit3A_207 : i32 to vector<16xi32>
      %select_n3A_209 = arith.select %eq3A_206, %broadcast_in_dim3A_208, %select_n3A_205 : vector<16xi1>, vector<16xi32>
      %eq3A_210 = arith.cmpf oeq, %select_n3A_140, %max3A_183 : vector<16xf32>
      %jit3A_211 = arith.constant 1 : i32
      %broadcast_in_dim3A_212 = vector.broadcast %jit3A_211 : i32 to vector<16xi32>
      %select_n3A_213 = arith.select %eq3A_210, %broadcast_in_dim3A_212, %select_n3A_209 : vector<16xi1>, vector<16xi32>
      %eq3A_214 = arith.cmpf oeq, %select_n3A_134, %max3A_183 : vector<16xf32>
      %jit3A_215 = arith.constant 0 : i32
      %broadcast_in_dim3A_216 = vector.broadcast %jit3A_215 : i32 to vector<16xi32>
      %select_n3A_217 = arith.select %eq3A_214, %broadcast_in_dim3A_216, %select_n3A_213 : vector<16xi1>, vector<16xi32>
      %add3A_218 = arith.addf %max3A_98, %max3A_183 : vector<16xf32>
      %div3A_219 = arith.constant 1.000000e+00 : f32
      %div3A_220 = vector.broadcast %div3A_219 : f32 to vector<16xf32>
      %div3A_221 = arith.divf %div3A_220, %add3A_218 : vector<16xf32>
      %eq3A_222 = arith.constant 0 : i32
      %eq3A_223 = vector.broadcast %eq3A_222 : i32 to vector<16xi32>
      %eq3A_224 = arith.cmpi eq, %select_n3A_128, %eq3A_223 : vector<16xi32>
      %jit3A_225 = arith.constant 0.000000e+00 : f32
      %broadcast_in_dim3A_226 = vector.broadcast %jit3A_225 : f32 to vector<16xf32>
      %select_n3A_227 = arith.select %eq3A_224, %max3A_98, %broadcast_in_dim3A_226 : vector<16xi1>, vector<16xf32>
      %eq3A_228 = arith.constant 0 : i32
      %eq3A_229 = vector.broadcast %eq3A_228 : i32 to vector<16xi32>
      %eq3A_230 = arith.cmpi eq, %select_n3A_217, %eq3A_229 : vector<16xi32>
      %jit3A_231 = arith.constant 0.000000e+00 : f32
      %broadcast_in_dim3A_232 = vector.broadcast %jit3A_231 : f32 to vector<16xf32>
      %select_n3A_233 = arith.select %eq3A_230, %max3A_183, %broadcast_in_dim3A_232 : vector<16xi1>, vector<16xf32>
      %add3A_234 = arith.addf %select_n3A_227, %select_n3A_233 : vector<16xf32>
      %mul3A_235 = arith.mulf %add3A_234, %div3A_221 : vector<16xf32>
      %swap3A = arith.constant 0 : index
      %swap3A_236 = tpu.vector_load %arg5[%swap3A] {strides = array<i32>} : memref<128xf32, #tpu.memory_space<vmem>>, vector<16xf32>,
      %swap3A_237 = vector.shape_cast %swap3A_236 : vector<16xf32> to vector<16xf32>
      %swap3A_238 = vector.shape_cast %mul3A_235 : vector<16xf32> to vector<16xf32>
      tpu.vector_store %arg5[%swap3A], %swap3A_238 {strides = array<i32>} : memref<128xf32, #tpu.memory_space<vmem>>, vector<16xf32>,
      %eq3A_239 = arith.constant 1 : i32
      %eq3A_240 = vector.broadcast %eq3A_239 : i32 to vector<16xi32>
      %eq3A_241 = arith.cmpi eq, %select_n3A_128, %eq3A_240 : vector<16xi32>
      %jit3A_242 = arith.constant 0.000000e+00 : f32
      %broadcast_in_dim3A_243 = vector.broadcast %jit3A_242 : f32 to vector<16xf32>
      %select_n3A_244 = arith.select %eq3A_241, %max3A_98, %broadcast_in_dim3A_243 : vector<16xi1>, vector<16xf32>
      %eq3A_245 = arith.constant 1 : i32
      %eq3A_246 = vector.broadcast %eq3A_245 : i32 to vector<16xi32>
      %eq3A_247 = arith.cmpi eq, %select_n3A_217, %eq3A_246 : vector<16xi32>
      %jit3A_248 = arith.constant 0.000000e+00 : f32
      %broadcast_in_dim3A_249 = vector.broadcast %jit3A_248 : f32 to vector<16xf32>
      %select_n3A_250 = arith.select %eq3A_247, %max3A_183, %broadcast_in_dim3A_249 : vector<16xi1>, vector<16xf32>
      %add3A_251 = arith.addf %select_n3A_244, %select_n3A_250 : vector<16xf32>
      %mul3A_252 = arith.mulf %add3A_251, %div3A_221 : vector<16xf32>
      %swap3A_253 = arith.constant 16 : index
      %swap3A_254 = tpu.vector_load %arg5[%swap3A_253] {strides = array<i32>} : memref<128xf32, #tpu.memory_space<vmem>>, vector<16xf32>,
      %swap3A_255 = vector.shape_cast %swap3A_254 : vector<16xf32> to vector<16xf32>
      %swap3A_256 = vector.shape_cast %mul3A_252 : vector<16xf32> to vector<16xf32>
      tpu.vector_store %arg5[%swap3A_253], %swap3A_256 {strides = array<i32>} : memref<128xf32, #tpu.memory_space<vmem>>, vector<16xf32>,
      %eq3A_257 = arith.constant 2 : i32
      %eq3A_258 = vector.broadcast %eq3A_257 : i32 to vector<16xi32>
      %eq3A_259 = arith.cmpi eq, %select_n3A_128, %eq3A_258 : vector<16xi32>
      %jit3A_260 = arith.constant 0.000000e+00 : f32
      %broadcast_in_dim3A_261 = vector.broadcast %jit3A_260 : f32 to vector<16xf32>
      %select_n3A_262 = arith.select %eq3A_259, %max3A_98, %broadcast_in_dim3A_261 : vector<16xi1>, vector<16xf32>
      %eq3A_263 = arith.constant 2 : i32
      %eq3A_264 = vector.broadcast %eq3A_263 : i32 to vector<16xi32>
      %eq3A_265 = arith.cmpi eq, %select_n3A_217, %eq3A_264 : vector<16xi32>
      %jit3A_266 = arith.constant 0.000000e+00 : f32
      %broadcast_in_dim3A_267 = vector.broadcast %jit3A_266 : f32 to vector<16xf32>
      %select_n3A_268 = arith.select %eq3A_265, %max3A_183, %broadcast_in_dim3A_267 : vector<16xi1>, vector<16xf32>
      %add3A_269 = arith.addf %select_n3A_262, %select_n3A_268 : vector<16xf32>
      %mul3A_270 = arith.mulf %add3A_269, %div3A_221 : vector<16xf32>
      %swap3A_271 = arith.constant 32 : index
      %swap3A_272 = tpu.vector_load %arg5[%swap3A_271] {strides = array<i32>} : memref<128xf32, #tpu.memory_space<vmem>>, vector<16xf32>,
      %swap3A_273 = vector.shape_cast %swap3A_272 : vector<16xf32> to vector<16xf32>
      %swap3A_274 = vector.shape_cast %mul3A_270 : vector<16xf32> to vector<16xf32>
      tpu.vector_store %arg5[%swap3A_271], %swap3A_274 {strides = array<i32>} : memref<128xf32, #tpu.memory_space<vmem>>, vector<16xf32>,
      %eq3A_275 = arith.constant 3 : i32
      %eq3A_276 = vector.broadcast %eq3A_275 : i32 to vector<16xi32>
      %eq3A_277 = arith.cmpi eq, %select_n3A_128, %eq3A_276 : vector<16xi32>
      %jit3A_278 = arith.constant 0.000000e+00 : f32
      %broadcast_in_dim3A_279 = vector.broadcast %jit3A_278 : f32 to vector<16xf32>
      %select_n3A_280 = arith.select %eq3A_277, %max3A_98, %broadcast_in_dim3A_279 : vector<16xi1>, vector<16xf32>
      %eq3A_281 = arith.constant 3 : i32
      %eq3A_282 = vector.broadcast %eq3A_281 : i32 to vector<16xi32>
      %eq3A_283 = arith.cmpi eq, %select_n3A_217, %eq3A_282 : vector<16xi32>
      %jit3A_284 = arith.constant 0.000000e+00 : f32
      %broadcast_in_dim3A_285 = vector.broadcast %jit3A_284 : f32 to vector<16xf32>
      %select_n3A_286 = arith.select %eq3A_283, %max3A_183, %broadcast_in_dim3A_285 : vector<16xi1>, vector<16xf32>
      %add3A_287 = arith.addf %select_n3A_280, %select_n3A_286 : vector<16xf32>
      %mul3A_288 = arith.mulf %add3A_287, %div3A_221 : vector<16xf32>
      %swap3A_289 = arith.constant 48 : index
      %swap3A_290 = tpu.vector_load %arg5[%swap3A_289] {strides = array<i32>} : memref<128xf32, #tpu.memory_space<vmem>>, vector<16xf32>,
      %swap3A_291 = vector.shape_cast %swap3A_290 : vector<16xf32> to vector<16xf32>
      %swap3A_292 = vector.shape_cast %mul3A_288 : vector<16xf32> to vector<16xf32>
      tpu.vector_store %arg5[%swap3A_289], %swap3A_292 {strides = array<i32>} : memref<128xf32, #tpu.memory_space<vmem>>, vector<16xf32>,
      %eq3A_293 = arith.constant 4 : i32
      %eq3A_294 = vector.broadcast %eq3A_293 : i32 to vector<16xi32>
      %eq3A_295 = arith.cmpi eq, %select_n3A_128, %eq3A_294 : vector<16xi32>
      %jit3A_296 = arith.constant 0.000000e+00 : f32
      %broadcast_in_dim3A_297 = vector.broadcast %jit3A_296 : f32 to vector<16xf32>
      %select_n3A_298 = arith.select %eq3A_295, %max3A_98, %broadcast_in_dim3A_297 : vector<16xi1>, vector<16xf32>
      %eq3A_299 = arith.constant 4 : i32
      %eq3A_300 = vector.broadcast %eq3A_299 : i32 to vector<16xi32>
      %eq3A_301 = arith.cmpi eq, %select_n3A_217, %eq3A_300 : vector<16xi32>
      %jit3A_302 = arith.constant 0.000000e+00 : f32
      %broadcast_in_dim3A_303 = vector.broadcast %jit3A_302 : f32 to vector<16xf32>
      %select_n3A_304 = arith.select %eq3A_301, %max3A_183, %broadcast_in_dim3A_303 : vector<16xi1>, vector<16xf32>
      %add3A_305 = arith.addf %select_n3A_298, %select_n3A_304 : vector<16xf32>
      %mul3A_306 = arith.mulf %add3A_305, %div3A_221 : vector<16xf32>
      %swap3A_307 = arith.constant 64 : index
      %swap3A_308 = tpu.vector_load %arg5[%swap3A_307] {strides = array<i32>} : memref<128xf32, #tpu.memory_space<vmem>>, vector<16xf32>,
      %swap3A_309 = vector.shape_cast %swap3A_308 : vector<16xf32> to vector<16xf32>
      %swap3A_310 = vector.shape_cast %mul3A_306 : vector<16xf32> to vector<16xf32>
      tpu.vector_store %arg5[%swap3A_307], %swap3A_310 {strides = array<i32>} : memref<128xf32, #tpu.memory_space<vmem>>, vector<16xf32>,
      %eq3A_311 = arith.constant 5 : i32
      %eq3A_312 = vector.broadcast %eq3A_311 : i32 to vector<16xi32>
      %eq3A_313 = arith.cmpi eq, %select_n3A_128, %eq3A_312 : vector<16xi32>
      %jit3A_314 = arith.constant 0.000000e+00 : f32
      %broadcast_in_dim3A_315 = vector.broadcast %jit3A_314 : f32 to vector<16xf32>
      %select_n3A_316 = arith.select %eq3A_313, %max3A_98, %broadcast_in_dim3A_315 : vector<16xi1>, vector<16xf32>
      %eq3A_317 = arith.constant 5 : i32
      %eq3A_318 = vector.broadcast %eq3A_317 : i32 to vector<16xi32>
      %eq3A_319 = arith.cmpi eq, %select_n3A_217, %eq3A_318 : vector<16xi32>
      %jit3A_320 = arith.constant 0.000000e+00 : f32
      %broadcast_in_dim3A_321 = vector.broadcast %jit3A_320 : f32 to vector<16xf32>
      %select_n3A_322 = arith.select %eq3A_319, %max3A_183, %broadcast_in_dim3A_321 : vector<16xi1>, vector<16xf32>
      %add3A_323 = arith.addf %select_n3A_316, %select_n3A_322 : vector<16xf32>
      %mul3A_324 = arith.mulf %add3A_323, %div3A_221 : vector<16xf32>
      %swap3A_325 = arith.constant 80 : index
      %swap3A_326 = tpu.vector_load %arg5[%swap3A_325] {strides = array<i32>} : memref<128xf32, #tpu.memory_space<vmem>>, vector<16xf32>,
      %swap3A_327 = vector.shape_cast %swap3A_326 : vector<16xf32> to vector<16xf32>
      %swap3A_328 = vector.shape_cast %mul3A_324 : vector<16xf32> to vector<16xf32>
      tpu.vector_store %arg5[%swap3A_325], %swap3A_328 {strides = array<i32>} : memref<128xf32, #tpu.memory_space<vmem>>, vector<16xf32>,
      %eq3A_329 = arith.constant 6 : i32
      %eq3A_330 = vector.broadcast %eq3A_329 : i32 to vector<16xi32>
      %eq3A_331 = arith.cmpi eq, %select_n3A_128, %eq3A_330 : vector<16xi32>
      %jit3A_332 = arith.constant 0.000000e+00 : f32
      %broadcast_in_dim3A_333 = vector.broadcast %jit3A_332 : f32 to vector<16xf32>
      %select_n3A_334 = arith.select %eq3A_331, %max3A_98, %broadcast_in_dim3A_333 : vector<16xi1>, vector<16xf32>
      %eq3A_335 = arith.constant 6 : i32
      %eq3A_336 = vector.broadcast %eq3A_335 : i32 to vector<16xi32>
      %eq3A_337 = arith.cmpi eq, %select_n3A_217, %eq3A_336 : vector<16xi32>
      %jit3A_338 = arith.constant 0.000000e+00 : f32
      %broadcast_in_dim3A_339 = vector.broadcast %jit3A_338 : f32 to vector<16xf32>
      %select_n3A_340 = arith.select %eq3A_337, %max3A_183, %broadcast_in_dim3A_339 : vector<16xi1>, vector<16xf32>
      %add3A_341 = arith.addf %select_n3A_334, %select_n3A_340 : vector<16xf32>
      %mul3A_342 = arith.mulf %add3A_341, %div3A_221 : vector<16xf32>
      %swap3A_343 = arith.constant 96 : index
      %swap3A_344 = tpu.vector_load %arg5[%swap3A_343] {strides = array<i32>} : memref<128xf32, #tpu.memory_space<vmem>>, vector<16xf32>,
      %swap3A_345 = vector.shape_cast %swap3A_344 : vector<16xf32> to vector<16xf32>
      %swap3A_346 = vector.shape_cast %mul3A_342 : vector<16xf32> to vector<16xf32>
      tpu.vector_store %arg5[%swap3A_343], %swap3A_346 {strides = array<i32>} : memref<128xf32, #tpu.memory_space<vmem>>, vector<16xf32>,
      %eq3A_347 = arith.constant 7 : i32
      %eq3A_348 = vector.broadcast %eq3A_347 : i32 to vector<16xi32>
      %eq3A_349 = arith.cmpi eq, %select_n3A_128, %eq3A_348 : vector<16xi32>
      %jit3A_350 = arith.constant 0.000000e+00 : f32
      %broadcast_in_dim3A_351 = vector.broadcast %jit3A_350 : f32 to vector<16xf32>
      %select_n3A_352 = arith.select %eq3A_349, %max3A_98, %broadcast_in_dim3A_351 : vector<16xi1>, vector<16xf32>
      %eq3A_353 = arith.constant 7 : i32
      %eq3A_354 = vector.broadcast %eq3A_353 : i32 to vector<16xi32>
      %eq3A_355 = arith.cmpi eq, %select_n3A_217, %eq3A_354 : vector<16xi32>
      %jit3A_356 = arith.constant 0.000000e+00 : f32
      %broadcast_in_dim3A_357 = vector.broadcast %jit3A_356 : f32 to vector<16xf32>
      %select_n3A_358 = arith.select %eq3A_355, %max3A_183, %broadcast_in_dim3A_357 : vector<16xi1>, vector<16xf32>
      %add3A_359 = arith.addf %select_n3A_352, %select_n3A_358 : vector<16xf32>
      %mul3A_360 = arith.mulf %add3A_359, %div3A_221 : vector<16xf32>
      %swap3A_361 = arith.constant 112 : index
      %swap3A_362 = tpu.vector_load %arg5[%swap3A_361] {strides = array<i32>} : memref<128xf32, #tpu.memory_space<vmem>>, vector<16xf32>,
      %swap3A_363 = vector.shape_cast %swap3A_362 : vector<16xf32> to vector<16xf32>
      %swap3A_364 = vector.shape_cast %mul3A_360 : vector<16xf32> to vector<16xf32>
      tpu.vector_store %arg5[%swap3A_361], %swap3A_364 {strides = array<i32>} : memref<128xf32, #tpu.memory_space<vmem>>, vector<16xf32>,
      %mul3A_365 = arith.constant 16 : i32
      %mul3A_366 = arith.muli %add3A, %mul3A_365 : i32
      %add3A_367 = arith.constant 0 : i32
      %add3A_368 = arith.addi %add3A_367, %mul3A_366 : i32
      %dma_start3A = arith.constant 0 : i32
      %dma_start3A_369 = tpu.memref_slice %arg5[%dma_start3A] : memref<128xf32, #tpu.memory_space<vmem>> -> memref<16xf32, #tpu.memory_space<vmem>>
      %dma_start3A_370 = tpu.memref_slice %arg3[%add3A_368] : memref<2048xf32, #tpu.memory_space<hbm>> -> memref<16xf32, #tpu.memory_space<hbm>>
      %dma_start3A_371 = tpu.memref_slice %arg3[%add3A_368] : memref<2048xf32, #tpu.memory_space<hbm>> -> memref<16xf32, #tpu.memory_space<hbm>>
      %dma_start3A_372 = arith.constant 0 : i32
      %dma_start3A_373 = tpu.memref_slice %arg5[%dma_start3A_372] : memref<128xf32, #tpu.memory_space<vmem>> -> memref<16xf32, #tpu.memory_space<vmem>>
      tpu.enqueue_dma source(%dma_start3A_373 : memref<16xf32, #tpu.memory_space<vmem>>) target(%dma_start3A_371 : memref<16xf32, #tpu.memory_space<hbm>>) target_semaphore(%arg6 : memref<!tpu.dma_semaphore, #tpu.memory_space<semaphore_mem>>)
      %mul3A_374 = arith.constant 16 : i32
      %mul3A_375 = arith.muli %add3A, %mul3A_374 : i32
      %add3A_376 = arith.constant 256 : i32
      %add3A_377 = arith.addi %add3A_376, %mul3A_375 : i32
      %dma_start3A_378 = arith.constant 16 : i32
      %dma_start3A_379 = tpu.memref_slice %arg5[%dma_start3A_378] : memref<128xf32, #tpu.memory_space<vmem>> -> memref<16xf32, #tpu.memory_space<vmem>>
      %dma_start3A_380 = tpu.memref_slice %arg3[%add3A_377] : memref<2048xf32, #tpu.memory_space<hbm>> -> memref<16xf32, #tpu.memory_space<hbm>>
      %dma_start3A_381 = tpu.memref_slice %arg3[%add3A_377] : memref<2048xf32, #tpu.memory_space<hbm>> -> memref<16xf32, #tpu.memory_space<hbm>>
      %dma_start3A_382 = arith.constant 16 : i32
      %dma_start3A_383 = tpu.memref_slice %arg5[%dma_start3A_382] : memref<128xf32, #tpu.memory_space<vmem>> -> memref<16xf32, #tpu.memory_space<vmem>>
      tpu.enqueue_dma source(%dma_start3A_383 : memref<16xf32, #tpu.memory_space<vmem>>) target(%dma_start3A_381 : memref<16xf32, #tpu.memory_space<hbm>>) target_semaphore(%arg6 : memref<!tpu.dma_semaphore, #tpu.memory_space<semaphore_mem>>)
      %mul3A_384 = arith.constant 16 : i32
      %mul3A_385 = arith.muli %add3A, %mul3A_384 : i32
      %add3A_386 = arith.constant 512 : i32
      %add3A_387 = arith.addi %add3A_386, %mul3A_385 : i32
      %dma_start3A_388 = arith.constant 32 : i32
      %dma_start3A_389 = tpu.memref_slice %arg5[%dma_start3A_388] : memref<128xf32, #tpu.memory_space<vmem>> -> memref<16xf32, #tpu.memory_space<vmem>>
      %dma_start3A_390 = tpu.memref_slice %arg3[%add3A_387] : memref<2048xf32, #tpu.memory_space<hbm>> -> memref<16xf32, #tpu.memory_space<hbm>>
      %dma_start3A_391 = tpu.memref_slice %arg3[%add3A_387] : memref<2048xf32, #tpu.memory_space<hbm>> -> memref<16xf32, #tpu.memory_space<hbm>>
      %dma_start3A_392 = arith.constant 32 : i32
      %dma_start3A_393 = tpu.memref_slice %arg5[%dma_start3A_392] : memref<128xf32, #tpu.memory_space<vmem>> -> memref<16xf32, #tpu.memory_space<vmem>>
      tpu.enqueue_dma source(%dma_start3A_393 : memref<16xf32, #tpu.memory_space<vmem>>) target(%dma_start3A_391 : memref<16xf32, #tpu.memory_space<hbm>>) target_semaphore(%arg6 : memref<!tpu.dma_semaphore, #tpu.memory_space<semaphore_mem>>)
      %mul3A_394 = arith.constant 16 : i32
      %mul3A_395 = arith.muli %add3A, %mul3A_394 : i32
      %add3A_396 = arith.constant 768 : i32
      %add3A_397 = arith.addi %add3A_396, %mul3A_395 : i32
      %dma_start3A_398 = arith.constant 48 : i32
      %dma_start3A_399 = tpu.memref_slice %arg5[%dma_start3A_398] : memref<128xf32, #tpu.memory_space<vmem>> -> memref<16xf32, #tpu.memory_space<vmem>>
      %dma_start3A_400 = tpu.memref_slice %arg3[%add3A_397] : memref<2048xf32, #tpu.memory_space<hbm>> -> memref<16xf32, #tpu.memory_space<hbm>>
      %dma_start3A_401 = tpu.memref_slice %arg3[%add3A_397] : memref<2048xf32, #tpu.memory_space<hbm>> -> memref<16xf32, #tpu.memory_space<hbm>>
      %dma_start3A_402 = arith.constant 48 : i32
      %dma_start3A_403 = tpu.memref_slice %arg5[%dma_start3A_402] : memref<128xf32, #tpu.memory_space<vmem>> -> memref<16xf32, #tpu.memory_space<vmem>>
      tpu.enqueue_dma source(%dma_start3A_403 : memref<16xf32, #tpu.memory_space<vmem>>) target(%dma_start3A_401 : memref<16xf32, #tpu.memory_space<hbm>>) target_semaphore(%arg6 : memref<!tpu.dma_semaphore, #tpu.memory_space<semaphore_mem>>)
      %mul3A_404 = arith.constant 16 : i32
      %mul3A_405 = arith.muli %add3A, %mul3A_404 : i32
      %add3A_406 = arith.constant 1024 : i32
      %add3A_407 = arith.addi %add3A_406, %mul3A_405 : i32
      %dma_start3A_408 = arith.constant 64 : i32
      %dma_start3A_409 = tpu.memref_slice %arg5[%dma_start3A_408] : memref<128xf32, #tpu.memory_space<vmem>> -> memref<16xf32, #tpu.memory_space<vmem>>
      %dma_start3A_410 = tpu.memref_slice %arg3[%add3A_407] : memref<2048xf32, #tpu.memory_space<hbm>> -> memref<16xf32, #tpu.memory_space<hbm>>
      %dma_start3A_411 = tpu.memref_slice %arg3[%add3A_407] : memref<2048xf32, #tpu.memory_space<hbm>> -> memref<16xf32, #tpu.memory_space<hbm>>
      %dma_start3A_412 = arith.constant 64 : i32
      %dma_start3A_413 = tpu.memref_slice %arg5[%dma_start3A_412] : memref<128xf32, #tpu.memory_space<vmem>> -> memref<16xf32, #tpu.memory_space<vmem>>
      tpu.enqueue_dma source(%dma_start3A_413 : memref<16xf32, #tpu.memory_space<vmem>>) target(%dma_start3A_411 : memref<16xf32, #tpu.memory_space<hbm>>) target_semaphore(%arg6 : memref<!tpu.dma_semaphore, #tpu.memory_space<semaphore_mem>>)
      %mul3A_414 = arith.constant 16 : i32
      %mul3A_415 = arith.muli %add3A, %mul3A_414 : i32
      %add3A_416 = arith.constant 1280 : i32
      %add3A_417 = arith.addi %add3A_416, %mul3A_415 : i32
      %dma_start3A_418 = arith.constant 80 : i32
      %dma_start3A_419 = tpu.memref_slice %arg5[%dma_start3A_418] : memref<128xf32, #tpu.memory_space<vmem>> -> memref<16xf32, #tpu.memory_space<vmem>>
      %dma_start3A_420 = tpu.memref_slice %arg3[%add3A_417] : memref<2048xf32, #tpu.memory_space<hbm>> -> memref<16xf32, #tpu.memory_space<hbm>>
      %dma_start3A_421 = tpu.memref_slice %arg3[%add3A_417] : memref<2048xf32, #tpu.memory_space<hbm>> -> memref<16xf32, #tpu.memory_space<hbm>>
      %dma_start3A_422 = arith.constant 80 : i32
      %dma_start3A_423 = tpu.memref_slice %arg5[%dma_start3A_422] : memref<128xf32, #tpu.memory_space<vmem>> -> memref<16xf32, #tpu.memory_space<vmem>>
      tpu.enqueue_dma source(%dma_start3A_423 : memref<16xf32, #tpu.memory_space<vmem>>) target(%dma_start3A_421 : memref<16xf32, #tpu.memory_space<hbm>>) target_semaphore(%arg6 : memref<!tpu.dma_semaphore, #tpu.memory_space<semaphore_mem>>)
      %mul3A_424 = arith.constant 16 : i32
      %mul3A_425 = arith.muli %add3A, %mul3A_424 : i32
      %add3A_426 = arith.constant 1536 : i32
      %add3A_427 = arith.addi %add3A_426, %mul3A_425 : i32
      %dma_start3A_428 = arith.constant 96 : i32
      %dma_start3A_429 = tpu.memref_slice %arg5[%dma_start3A_428] : memref<128xf32, #tpu.memory_space<vmem>> -> memref<16xf32, #tpu.memory_space<vmem>>
      %dma_start3A_430 = tpu.memref_slice %arg3[%add3A_427] : memref<2048xf32, #tpu.memory_space<hbm>> -> memref<16xf32, #tpu.memory_space<hbm>>
      %dma_start3A_431 = tpu.memref_slice %arg3[%add3A_427] : memref<2048xf32, #tpu.memory_space<hbm>> -> memref<16xf32, #tpu.memory_space<hbm>>
      %dma_start3A_432 = arith.constant 96 : i32
      %dma_start3A_433 = tpu.memref_slice %arg5[%dma_start3A_432] : memref<128xf32, #tpu.memory_space<vmem>> -> memref<16xf32, #tpu.memory_space<vmem>>
      tpu.enqueue_dma source(%dma_start3A_433 : memref<16xf32, #tpu.memory_space<vmem>>) target(%dma_start3A_431 : memref<16xf32, #tpu.memory_space<hbm>>) target_semaphore(%arg6 : memref<!tpu.dma_semaphore, #tpu.memory_space<semaphore_mem>>)
      %mul3A_434 = arith.constant 16 : i32
      %mul3A_435 = arith.muli %add3A, %mul3A_434 : i32
      %add3A_436 = arith.constant 1792 : i32
      %add3A_437 = arith.addi %add3A_436, %mul3A_435 : i32
      %dma_start3A_438 = arith.constant 112 : i32
      %dma_start3A_439 = tpu.memref_slice %arg5[%dma_start3A_438] : memref<128xf32, #tpu.memory_space<vmem>> -> memref<16xf32, #tpu.memory_space<vmem>>
      %dma_start3A_440 = tpu.memref_slice %arg3[%add3A_437] : memref<2048xf32, #tpu.memory_space<hbm>> -> memref<16xf32, #tpu.memory_space<hbm>>
      %dma_start3A_441 = tpu.memref_slice %arg3[%add3A_437] : memref<2048xf32, #tpu.memory_space<hbm>> -> memref<16xf32, #tpu.memory_space<hbm>>
      %dma_start3A_442 = arith.constant 112 : i32
      %dma_start3A_443 = tpu.memref_slice %arg5[%dma_start3A_442] : memref<128xf32, #tpu.memory_space<vmem>> -> memref<16xf32, #tpu.memory_space<vmem>>
      tpu.enqueue_dma source(%dma_start3A_443 : memref<16xf32, #tpu.memory_space<vmem>>) target(%dma_start3A_441 : memref<16xf32, #tpu.memory_space<hbm>>) target_semaphore(%arg6 : memref<!tpu.dma_semaphore, #tpu.memory_space<semaphore_mem>>)
      %dma_wait3A = arith.constant 0 : i32
      %dma_wait3A_444 = tpu.memref_slice %arg5[%dma_wait3A] : memref<128xf32, #tpu.memory_space<vmem>> -> memref<16xf32, #tpu.memory_space<vmem>>
      %dma_wait3A_445 = tpu.memref_slice %arg3[%add3A_368] : memref<2048xf32, #tpu.memory_space<hbm>> -> memref<16xf32, #tpu.memory_space<hbm>>
      %dma_wait3A_446 = tpu.memref_slice %arg3[%add3A_368] : memref<2048xf32, #tpu.memory_space<hbm>> -> memref<16xf32, #tpu.memory_space<hbm>>
      %dma_wait3A_447 = arith.constant 0 : i32
      %dma_wait3A_448 = tpu.memref_slice %arg5[%dma_wait3A_447] : memref<128xf32, #tpu.memory_space<vmem>> -> memref<16xf32, #tpu.memory_space<vmem>>
      tpu.wait_dma2 semaphore(%arg6 : memref<!tpu.dma_semaphore, #tpu.memory_space<semaphore_mem>>) src(%dma_wait3A_448 : memref<16xf32, #tpu.memory_space<vmem>>) dst(%dma_wait3A_446 : memref<16xf32, #tpu.memory_space<hbm>>)
      %dma_wait3A_449 = arith.constant 16 : i32
      %dma_wait3A_450 = tpu.memref_slice %arg5[%dma_wait3A_449] : memref<128xf32, #tpu.memory_space<vmem>> -> memref<16xf32, #tpu.memory_space<vmem>>
      %dma_wait3A_451 = tpu.memref_slice %arg3[%add3A_377] : memref<2048xf32, #tpu.memory_space<hbm>> -> memref<16xf32, #tpu.memory_space<hbm>>
      %dma_wait3A_452 = tpu.memref_slice %arg3[%add3A_377] : memref<2048xf32, #tpu.memory_space<hbm>> -> memref<16xf32, #tpu.memory_space<hbm>>
      %dma_wait3A_453 = arith.constant 16 : i32
      %dma_wait3A_454 = tpu.memref_slice %arg5[%dma_wait3A_453] : memref<128xf32, #tpu.memory_space<vmem>> -> memref<16xf32, #tpu.memory_space<vmem>>
      tpu.wait_dma2 semaphore(%arg6 : memref<!tpu.dma_semaphore, #tpu.memory_space<semaphore_mem>>) src(%dma_wait3A_454 : memref<16xf32, #tpu.memory_space<vmem>>) dst(%dma_wait3A_452 : memref<16xf32, #tpu.memory_space<hbm>>)
      %dma_wait3A_455 = arith.constant 32 : i32
      %dma_wait3A_456 = tpu.memref_slice %arg5[%dma_wait3A_455] : memref<128xf32, #tpu.memory_space<vmem>> -> memref<16xf32, #tpu.memory_space<vmem>>
      %dma_wait3A_457 = tpu.memref_slice %arg3[%add3A_387] : memref<2048xf32, #tpu.memory_space<hbm>> -> memref<16xf32, #tpu.memory_space<hbm>>
      %dma_wait3A_458 = tpu.memref_slice %arg3[%add3A_387] : memref<2048xf32, #tpu.memory_space<hbm>> -> memref<16xf32, #tpu.memory_space<hbm>>
      %dma_wait3A_459 = arith.constant 32 : i32
      %dma_wait3A_460 = tpu.memref_slice %arg5[%dma_wait3A_459] : memref<128xf32, #tpu.memory_space<vmem>> -> memref<16xf32, #tpu.memory_space<vmem>>
      tpu.wait_dma2 semaphore(%arg6 : memref<!tpu.dma_semaphore, #tpu.memory_space<semaphore_mem>>) src(%dma_wait3A_460 : memref<16xf32, #tpu.memory_space<vmem>>) dst(%dma_wait3A_458 : memref<16xf32, #tpu.memory_space<hbm>>)
      %dma_wait3A_461 = arith.constant 48 : i32
      %dma_wait3A_462 = tpu.memref_slice %arg5[%dma_wait3A_461] : memref<128xf32, #tpu.memory_space<vmem>> -> memref<16xf32, #tpu.memory_space<vmem>>
      %dma_wait3A_463 = tpu.memref_slice %arg3[%add3A_397] : memref<2048xf32, #tpu.memory_space<hbm>> -> memref<16xf32, #tpu.memory_space<hbm>>
      %dma_wait3A_464 = tpu.memref_slice %arg3[%add3A_397] : memref<2048xf32, #tpu.memory_space<hbm>> -> memref<16xf32, #tpu.memory_space<hbm>>
      %dma_wait3A_465 = arith.constant 48 : i32
      %dma_wait3A_466 = tpu.memref_slice %arg5[%dma_wait3A_465] : memref<128xf32, #tpu.memory_space<vmem>> -> memref<16xf32, #tpu.memory_space<vmem>>
      tpu.wait_dma2 semaphore(%arg6 : memref<!tpu.dma_semaphore, #tpu.memory_space<semaphore_mem>>) src(%dma_wait3A_466 : memref<16xf32, #tpu.memory_space<vmem>>) dst(%dma_wait3A_464 : memref<16xf32, #tpu.memory_space<hbm>>)
      %dma_wait3A_467 = arith.constant 64 : i32
      %dma_wait3A_468 = tpu.memref_slice %arg5[%dma_wait3A_467] : memref<128xf32, #tpu.memory_space<vmem>> -> memref<16xf32, #tpu.memory_space<vmem>>
      %dma_wait3A_469 = tpu.memref_slice %arg3[%add3A_407] : memref<2048xf32, #tpu.memory_space<hbm>> -> memref<16xf32, #tpu.memory_space<hbm>>
      %dma_wait3A_470 = tpu.memref_slice %arg3[%add3A_407] : memref<2048xf32, #tpu.memory_space<hbm>> -> memref<16xf32, #tpu.memory_space<hbm>>
      %dma_wait3A_471 = arith.constant 64 : i32
      %dma_wait3A_472 = tpu.memref_slice %arg5[%dma_wait3A_471] : memref<128xf32, #tpu.memory_space<vmem>> -> memref<16xf32, #tpu.memory_space<vmem>>
      tpu.wait_dma2 semaphore(%arg6 : memref<!tpu.dma_semaphore, #tpu.memory_space<semaphore_mem>>) src(%dma_wait3A_472 : memref<16xf32, #tpu.memory_space<vmem>>) dst(%dma_wait3A_470 : memref<16xf32, #tpu.memory_space<hbm>>)
      %dma_wait3A_473 = arith.constant 80 : i32
      %dma_wait3A_474 = tpu.memref_slice %arg5[%dma_wait3A_473] : memref<128xf32, #tpu.memory_space<vmem>> -> memref<16xf32, #tpu.memory_space<vmem>>
      %dma_wait3A_475 = tpu.memref_slice %arg3[%add3A_417] : memref<2048xf32, #tpu.memory_space<hbm>> -> memref<16xf32, #tpu.memory_space<hbm>>
      %dma_wait3A_476 = tpu.memref_slice %arg3[%add3A_417] : memref<2048xf32, #tpu.memory_space<hbm>> -> memref<16xf32, #tpu.memory_space<hbm>>
      %dma_wait3A_477 = arith.constant 80 : i32
      %dma_wait3A_478 = tpu.memref_slice %arg5[%dma_wait3A_477] : memref<128xf32, #tpu.memory_space<vmem>> -> memref<16xf32, #tpu.memory_space<vmem>>
      tpu.wait_dma2 semaphore(%arg6 : memref<!tpu.dma_semaphore, #tpu.memory_space<semaphore_mem>>) src(%dma_wait3A_478 : memref<16xf32, #tpu.memory_space<vmem>>) dst(%dma_wait3A_476 : memref<16xf32, #tpu.memory_space<hbm>>)
      %dma_wait3A_479 = arith.constant 96 : i32
      %dma_wait3A_480 = tpu.memref_slice %arg5[%dma_wait3A_479] : memref<128xf32, #tpu.memory_space<vmem>> -> memref<16xf32, #tpu.memory_space<vmem>>
      %dma_wait3A_481 = tpu.memref_slice %arg3[%add3A_427] : memref<2048xf32, #tpu.memory_space<hbm>> -> memref<16xf32, #tpu.memory_space<hbm>>
      %dma_wait3A_482 = tpu.memref_slice %arg3[%add3A_427] : memref<2048xf32, #tpu.memory_space<hbm>> -> memref<16xf32, #tpu.memory_space<hbm>>
      %dma_wait3A_483 = arith.constant 96 : i32
      %dma_wait3A_484 = tpu.memref_slice %arg5[%dma_wait3A_483] : memref<128xf32, #tpu.memory_space<vmem>> -> memref<16xf32, #tpu.memory_space<vmem>>
      tpu.wait_dma2 semaphore(%arg6 : memref<!tpu.dma_semaphore, #tpu.memory_space<semaphore_mem>>) src(%dma_wait3A_484 : memref<16xf32, #tpu.memory_space<vmem>>) dst(%dma_wait3A_482 : memref<16xf32, #tpu.memory_space<hbm>>)
      %dma_wait3A_485 = arith.constant 112 : i32
      %dma_wait3A_486 = tpu.memref_slice %arg5[%dma_wait3A_485] : memref<128xf32, #tpu.memory_space<vmem>> -> memref<16xf32, #tpu.memory_space<vmem>>
      %dma_wait3A_487 = tpu.memref_slice %arg3[%add3A_437] : memref<2048xf32, #tpu.memory_space<hbm>> -> memref<16xf32, #tpu.memory_space<hbm>>
      %dma_wait3A_488 = tpu.memref_slice %arg3[%add3A_437] : memref<2048xf32, #tpu.memory_space<hbm>> -> memref<16xf32, #tpu.memory_space<hbm>>
      %dma_wait3A_489 = arith.constant 112 : i32
      %dma_wait3A_490 = tpu.memref_slice %arg5[%dma_wait3A_489] : memref<128xf32, #tpu.memory_space<vmem>> -> memref<16xf32, #tpu.memory_space<vmem>>
      tpu.wait_dma2 semaphore(%arg6 : memref<!tpu.dma_semaphore, #tpu.memory_space<semaphore_mem>>) src(%dma_wait3A_490 : memref<16xf32, #tpu.memory_space<vmem>>) dst(%dma_wait3A_488 : memref<16xf32, #tpu.memory_space<hbm>>)
    } else {
    }
    return
  }
}

module attributes {stable_mosaic.version = 14 : i64} {
  func.func @_logits_t_body(%arg0: memref<256x1024xf32, #tpu.memory_space<vmem>>, %arg1: memref<1024x8xf32, #tpu.memory_space<vmem>>, %arg2: memref<8x256xf32, #tpu.memory_space<vmem>>) attributes {dimension_semantics = [], scalar_prefetch = 0 : i64, scratch_operands = 0 : i64, tpu.core_type = #tpu.core_type<tc>} {
    %get3A = arith.constant 0 : index
    %get3A_0 = arith.constant 0 : index
    %get3A_1 = vector.load %arg0[%get3A, %get3A_0] : memref<256x1024xf32, #tpu.memory_space<vmem>>, vector<256x1024xf32>
    %get3A_2 = arith.constant 0 : index
    %get3A_3 = arith.constant 0 : index
    %get3A_4 = vector.load %arg1[%get3A_2, %get3A_3] : memref<1024x8xf32, #tpu.memory_space<vmem>>, vector<1024x8xf32>
    %dot_general3A = arith.constant dense<0.000000e+00> : vector<256x8xf32>
    %dot_general3A_5 = tpu.matmul %get3A_1, %get3A_4, %dot_general3A {dimension_numbers = #tpu.dot_dimension_numbers<[1], [0], [0], [1], [0, 0, 1, 1], [], []>, transpose_lhs_hint = false} : vector<256x1024xf32>, vector<1024x8xf32>, vector<256x8xf32> -> vector<256x8xf32>
    %transpose3A = tpu.transpose %dot_general3A_5, [1, 0] : vector<256x8xf32> -> vector<8x256xf32>
    %swap3A = arith.constant 0 : index
    %swap3A_6 = arith.constant 0 : index
    %swap3A_7 = vector.load %arg2[%swap3A, %swap3A_6] : memref<8x256xf32, #tpu.memory_space<vmem>>, vector<8x256xf32>
    tpu.vector_store %arg2[%swap3A, %swap3A_6], %transpose3A {strides = array<i32>} : memref<8x256xf32, #tpu.memory_space<vmem>>, vector<8x256xf32>,
    return
  }
}

module attributes {stable_mosaic.version = 14 : i64} {
  func.func @_moe_body(%arg0: i32, %arg1: i32, %arg2: memref<256x1024xbf16, #tpu.memory_space<vmem>>, %arg3: memref<8x256xf32, #tpu.memory_space<vmem>>, %arg4: memref<1x1024x1024xf32, #tpu.memory_space<vmem>>, %arg5: memref<1x1024x1024xf32, #tpu.memory_space<vmem>>, %arg6: memref<1x1024x1024xf32, #tpu.memory_space<vmem>>, %arg7: memref<256x1024xf32, #tpu.memory_space<vmem>>, %arg8: memref<256x8xf32, #tpu.memory_space<vmem>>) attributes {dimension_semantics = [#tpu.dimension_semantics<arbitrary>, #tpu.dimension_semantics<arbitrary>], iteration_bounds = array<i64: 8, 4>, scalar_prefetch = 0 : i64, scratch_operands = 1 : i64, tpu.core_type = #tpu.core_type<tc>, window_params = [{pipeline_mode = #tpu.pipeline_mode<synchronous>, transform_indices = @transform_0, window_bounds = array<i64: 256, 1024>}, {pipeline_mode = #tpu.pipeline_mode<synchronous>, transform_indices = @transform_1, window_bounds = array<i64: 8, 256>}, {transform_indices = @transform_2, window_bounds = array<i64: 1, 1024, 1024>}, {transform_indices = @transform_3, window_bounds = array<i64: 1, 1024, 1024>}, {transform_indices = @transform_4, window_bounds = array<i64: 1, 1024, 1024>}, {pipeline_mode = #tpu.pipeline_mode<synchronous>, transform_indices = @transform_5, window_bounds = array<i64: 256, 1024>}]} {
    %eq3A = arith.constant 0 : i32
    %eq3A_0 = arith.cmpi eq, %arg0, %eq3A : i32
    %eq3A_1 = arith.constant 0 : i32
    %eq3A_2 = arith.cmpi eq, %arg1, %eq3A_1 : i32
    %and3A = arith.andi %eq3A_0, %eq3A_2 : i1
    %convert_element_type3A = arith.extui %and3A : i1 to i32
    %cond3A = arith.constant 0 : i32
    %cond3A_3 = arith.cmpi ne, %convert_element_type3A, %cond3A : i32
    scf.if %cond3A_3 {
      %broadcast_in_dim3A_50 = arith.constant 0.000000e+00 : f32
      %broadcast_in_dim3A_51 = vector.broadcast %broadcast_in_dim3A_50 : f32 to vector<256x1024xf32>
      %swap3A_52 = arith.constant 0 : index
      %swap3A_53 = arith.constant 0 : index
      %swap3A_54 = vector.load %arg7[%swap3A_52, %swap3A_53] : memref<256x1024xf32, #tpu.memory_space<vmem>>, vector<256x1024xf32>
      tpu.vector_store %arg7[%swap3A_52, %swap3A_53], %broadcast_in_dim3A_51 {strides = array<i32>} : memref<256x1024xf32, #tpu.memory_space<vmem>>, vector<256x1024xf32>,
      %get3A_55 = arith.constant 0 : index
      %get3A_56 = arith.constant 0 : index
      %get3A_57 = vector.load %arg3[%get3A_55, %get3A_56] : memref<8x256xf32, #tpu.memory_space<vmem>>, vector<8x256xf32>
      %transpose3A = tpu.transpose %get3A_57, [1, 0] : vector<8x256xf32> -> vector<256x8xf32>
      %swap3A_58 = arith.constant 0 : index
      %swap3A_59 = arith.constant 0 : index
      %swap3A_60 = vector.load %arg8[%swap3A_58, %swap3A_59] : memref<256x8xf32, #tpu.memory_space<vmem>>, vector<256x8xf32>
      tpu.vector_store %arg8[%swap3A_58, %swap3A_59], %transpose3A {strides = array<i32>} : memref<256x8xf32, #tpu.memory_space<vmem>>, vector<256x8xf32>,
    } else {
    }
    %get3A = arith.constant 0 : index
    %get3A_4 = arith.constant 0 : index
    %get3A_5 = vector.load %arg2[%get3A, %get3A_4] : memref<256x1024xbf16, #tpu.memory_space<vmem>>, vector<256x1024xbf16>
    %get3A_6 = arith.constant 0 : index
    %get3A_7 = arith.constant 0 : index
    %get3A_8 = arith.constant 0 : index
    %get3A_9 = vector.load %arg4[%get3A_6, %get3A_7, %get3A_8] : memref<1x1024x1024xf32, #tpu.memory_space<vmem>>, vector<1x1024x1024xf32>
    %get3A_10 = vector.shape_cast %get3A_9 : vector<1x1024x1024xf32> to vector<1024x1024xf32>
    %convert_element_type3A_11 = arith.truncf %get3A_10 : vector<1024x1024xf32> to vector<1024x1024xbf16>
    %get3A_12 = arith.constant 0 : index
    %get3A_13 = arith.constant 0 : index
    %get3A_14 = arith.constant 0 : index
    %get3A_15 = vector.load %arg5[%get3A_12, %get3A_13, %get3A_14] : memref<1x1024x1024xf32, #tpu.memory_space<vmem>>, vector<1x1024x1024xf32>
    %get3A_16 = vector.shape_cast %get3A_15 : vector<1x1024x1024xf32> to vector<1024x1024xf32>
    %convert_element_type3A_17 = arith.truncf %get3A_16 : vector<1024x1024xf32> to vector<1024x1024xbf16>
    %dot_general3A = arith.constant dense<0.000000e+00> : vector<256x1024xf32>
    %dot_general3A_18 = tpu.matmul %get3A_5, %convert_element_type3A_11, %dot_general3A {dimension_numbers = #tpu.dot_dimension_numbers<[1], [0], [0], [1], [0, 0, 1, 1], [], []>, transpose_lhs_hint = false} : vector<256x1024xbf16>, vector<1024x1024xbf16>, vector<256x1024xf32> -> vector<256x1024xf32>
    %dot_general3A_19 = arith.constant dense<0.000000e+00> : vector<256x1024xf32>
    %dot_general3A_20 = tpu.matmul %get3A_5, %convert_element_type3A_17, %dot_general3A_19 {dimension_numbers = #tpu.dot_dimension_numbers<[1], [0], [0], [1], [0, 0, 1, 1], [], []>, transpose_lhs_hint = false} : vector<256x1024xbf16>, vector<1024x1024xbf16>, vector<256x1024xf32> -> vector<256x1024xf32>
    %logistic3A = arith.negf %dot_general3A_18 : vector<256x1024xf32>
    %logistic3A_21 = math.exp %logistic3A : vector<256x1024xf32>
    %logistic3A_22 = arith.constant 1.000000e+00 : f32
    %logistic3A_23 = vector.broadcast %logistic3A_22 : f32 to vector<256x1024xf32>
    %logistic3A_24 = arith.addf %logistic3A_23, %logistic3A_21 : vector<256x1024xf32>
    %logistic3A_25 = arith.divf %logistic3A_23, %logistic3A_24 : vector<256x1024xf32>
    %mul3A = arith.mulf %dot_general3A_18, %logistic3A_25 : vector<256x1024xf32>
    %mul3A_26 = arith.mulf %mul3A, %dot_general3A_20 : vector<256x1024xf32>
    %get3A_27 = arith.constant 0 : index
    %get3A_28 = arith.constant 0 : index
    %get3A_29 = arith.constant 0 : index
    %get3A_30 = vector.load %arg6[%get3A_27, %get3A_28, %get3A_29] : memref<1x1024x1024xf32, #tpu.memory_space<vmem>>, vector<1x1024x1024xf32>
    %get3A_31 = vector.shape_cast %get3A_30 : vector<1x1024x1024xf32> to vector<1024x1024xf32>
    %convert_element_type3A_32 = arith.truncf %get3A_31 : vector<1024x1024xf32> to vector<1024x1024xbf16>
    %convert_element_type3A_33 = arith.truncf %mul3A_26 : vector<256x1024xf32> to vector<256x1024xbf16>
    %dot_general3A_34 = arith.constant dense<0.000000e+00> : vector<256x1024xf32>
    %dot_general3A_35 = tpu.matmul %convert_element_type3A_33, %convert_element_type3A_32, %dot_general3A_34 {dimension_numbers = #tpu.dot_dimension_numbers<[1], [0], [0], [1], [0, 0, 1, 1], [], []>, transpose_lhs_hint = false} : vector<256x1024xbf16>, vector<1024x1024xbf16>, vector<256x1024xf32> -> vector<256x1024xf32>
    %iota3A = tpu.iota {dimensions = array<i32: 1>} : vector<256x8xi32>
    %eq3A_36 = vector.broadcast %arg0 : i32 to vector<256x8xi32>
    %eq3A_37 = arith.cmpi eq, %iota3A, %eq3A_36 : vector<256x8xi32>
    %get3A_38 = arith.constant 0 : index
    %get3A_39 = arith.constant 0 : index
    %get3A_40 = vector.load %arg8[%get3A_38, %get3A_39] : memref<256x8xf32, #tpu.memory_space<vmem>>, vector<256x8xf32>
    %jit3A = arith.constant 0.000000e+00 : f32
    %broadcast_in_dim3A = vector.broadcast %jit3A : f32 to vector<256x8xf32>
    %select_n3A = arith.select %eq3A_37, %get3A_40, %broadcast_in_dim3A : vector<256x8xi1>, vector<256x8xf32>
    %reduce_sum3A = arith.constant dense<0.000000e+00> : vector<256xf32>
    %reduce_sum3A_41 = vector.multi_reduction <add>, %select_n3A, %reduce_sum3A [1] : vector<256x8xf32> to vector<256xf32>
    %broadcast_in_dim3A_42 = vector.shape_cast %reduce_sum3A_41 : vector<256xf32> to vector<256x1xf32>
    %get3A_43 = arith.constant 0 : index
    %get3A_44 = arith.constant 0 : index
    %get3A_45 = vector.load %arg7[%get3A_43, %get3A_44] : memref<256x1024xf32, #tpu.memory_space<vmem>>, vector<256x1024xf32>
    %mul3A_46 = vector.broadcast %broadcast_in_dim3A_42 : vector<256x1xf32> to vector<256x1024xf32>
    %mul3A_47 = arith.mulf %mul3A_46, %dot_general3A_35 : vector<256x1024xf32>
    %add3A = arith.addf %get3A_45, %mul3A_47 : vector<256x1024xf32>
    %swap3A = arith.constant 0 : index
    %swap3A_48 = arith.constant 0 : index
    %swap3A_49 = vector.load %arg7[%swap3A, %swap3A_48] : memref<256x1024xf32, #tpu.memory_space<vmem>>, vector<256x1024xf32>
    tpu.vector_store %arg7[%swap3A, %swap3A_48], %add3A {strides = array<i32>} : memref<256x1024xf32, #tpu.memory_space<vmem>>, vector<256x1024xf32>,
    return
  }
  func.func @transform_0(%arg0: i32, %arg1: i32) -> (i32, i32) {
    %c0_i32 = arith.constant 0 : i32
    %c0_i32_0 = arith.constant 0 : i32
    %c0_i32_1 = arith.constant 0 : i32
    return %c0_i32, %c0_i32_0 : i32, i32
  }
  func.func @transform_1(%arg0: i32, %arg1: i32) -> (i32, i32) {
    %c0_i32 = arith.constant 0 : i32
    %c0_i32_0 = arith.constant 0 : i32
    %c0_i32_1 = arith.constant 0 : i32
    return %c0_i32, %c0_i32_0 : i32, i32
  }
  func.func @transform_2(%arg0: i32, %arg1: i32) -> (i32, i32, i32) {
    %c0_i32 = arith.constant 0 : i32
    %c0_i32_0 = arith.constant 0 : i32
    return %arg0, %c0_i32, %arg1 : i32, i32, i32
  }
  func.func @transform_3(%arg0: i32, %arg1: i32) -> (i32, i32, i32) {
    %c0_i32 = arith.constant 0 : i32
    %c0_i32_0 = arith.constant 0 : i32
    return %arg0, %c0_i32, %arg1 : i32, i32, i32
  }
  func.func @transform_4(%arg0: i32, %arg1: i32) -> (i32, i32, i32) {
    %c0_i32 = arith.constant 0 : i32
    %c0_i32_0 = arith.constant 0 : i32
    return %arg0, %arg1, %c0_i32 : i32, i32, i32
  }
  func.func @transform_5(%arg0: i32, %arg1: i32) -> (i32, i32) {
    %c0_i32 = arith.constant 0 : i32
    %c0_i32_0 = arith.constant 0 : i32
    %c0_i32_1 = arith.constant 0 : i32
    return %c0_i32, %c0_i32_0 : i32, i32
  }
}

</mosaic_0001>

<sc_bundles>
// kernel: kernel.5.cloned.1.call-start
scs
__scs_entry_jumppad:
0x0: {  	(pc) =	sbr.rel $0x88, $3  }
0x1: {  	(tag) =	ssettag $0x0;
	lr =	simm.s32 $0x1  }
0x2: {  	[smem:$0x3F9C] =	sst lr;
	_ =	strace $0xD0000000  }
0x3: {  	_ = 	snop  }
0x4: {  	_ = 	snop  }
0x5: {  	_ = 	snop  }
0x6: {  	_ = 	snop  }
0x7: {  	_ = 	snop  }
__scs_overlays_trampoline_lowered:
0x8: {  	[smem:$0x3FAB] =	sst s0  }
0x9: {  	[smem:$0x3FAC] =	sst s1  }
0xa: {  	[smem:$0x3FAD] =	sst s2  }
0xb: {  	[smem:$0x3FAE] =	sst s3  }
0xc: {  	[smem:$0x3FAF] =	sst s4  }
0xd: {  	[smem:$0x3FB0] =	sst s5  }
0xe: {  	[smem:$0x3FB1] =	sst s6  }
0xf: {  	[smem:$0x3FB2] =	sst s7  }
0x10: {  	[smem:$0x3FB3] =	sst s8  }
0x11: {  	[smem:$0x3FB4] =	sst s9;
	s0 =	simm.s32 @!p0 $0x0  }
0x12: {  	s1 =	sld [smem:$0x3F9A];
	s0 =	simm.s32 @p0 $0x1  }
0x13: {  	[smem:$0x3FB5] =	sst s0;
	s0 =	simm.s32 @!p1 $0x0  }
0x14: {  	s2 =	sld [smem:$0x3F99];
	s0 =	simm.s32 @p1 $0x1  }
0x15: {  	[smem:$0x3FB6] =	sst s0;
	s0 =	simm.s32 @!p2 $0x0  }
0x16: {  	s3 =	sld [smem:$0x3FDB];
	s0 =	simm.s32 @p2 $0x1  }
0x17: {  	s4 =	simm.s32 $0x1BF5;
	[smem:$0x3FB8] =	sst s0  }
0x18: {  	s0 =	sld [smem:$0x3F9B];
	_ =	swait.ge [sflag:s4], $0x0  }
0x19: {  	s7 =	sld [smem:$0x3F9C]  }
0x1a: {  	s8 =	sadd.s32 $0xFFFFE003, lr  }
0x1b: {  	s9 =	sadd.s32 $0xFFFFFEF7, lr;
	s5 =	simm.s32 $0xFFFFFFFF;
	p2 =	slt.u32 s8, $0xFFFFF086  }
0x1c: {  	p1 =	slt.u32 s9, $0xF7A;
	s5 =	simm.s32 @!p2 $0x0  }
0x1d: {  	s5 =	simm.s32 @p1 $0x1;
	p0 =	seq.s32 s7, s2  }
0x1e: {  	s7 =	smul.u32 @!p0 $0xF7A, s2;
	p2 =	seq.s32 @!p0 s5, $0x0  }
0x1f: {  	s9 =	smul.u32 $0xF7A, s1;
	s8 =	simm.s32 @!p0 $0x1BF5;
	p2 =	por !p2, p0  }
0x20: {  	[sflag:s8] =	ssyncset.s32 @!p0 $0xFFFFF086;
	s6 =	sadd.s32 @!p0 s3, s7;
	s7 =	simm.s32 @!p0 $0x108  }
0x21: {  	s3 =	sadd.s32 s3, s9;
	s6 =	sadd.s32 @!p0 $0x88, s6;
	s7 =	simm.s32 @p2 $0x1082  }
0x22: {  	[simem:s7], [sflag:s8] =	dma.local @!p0 [hbm:s6], $0xF7A  }
0x23: {  	s9 =	sor.u32 $0xD0000000, s2;
	s6 =	simm.s32 $0x108;
	_ =	swait.ge @!p0 [sflag:s8], $0x0  }
0x24: {  	s3 =	sadd.s32 $0x88, s3;
	s6 =	simm.s32 @!p1 $0x1082;
	[sflag:s4] =	ssyncset.s32 $0xFFFFF086  }
0x25: {  	[simem:s6], [sflag:s4] =	dma.local [hbm:s3], $0xF7A  }
0x26: {  	[smem:$0x3F9C] =	sst s1;
	(tag) =	ssettag s2;
	_ =	strace s9  }
0x27: {  	s1 =	sld [smem:$0x3FAC]  }
0x28: {  	s2 =	sld [smem:$0x3FAD]  }
0x29: {  	s4 =	sld [smem:$0x3FAF]  }
0x2a: {  	p0 =	seq.s32 s5, $0x0;
	s5 =	sld [smem:$0x3FB0]  }
0x2b: {  	s6 =	sld [smem:$0x3FB1]  }
0x2c: {  	s7 =	sld [smem:$0x3FB2]  }
0x2d: {  	s3 =	simm.s32 $0x108;
	s8 =	sld [smem:$0x3FB3]  }
0x2e: {  	s3 =	simm.s32 @!p0 $0x1082;
	s9 =	sld [smem:$0x3FB4]  }
0x2f: {  	lr =	sadd.s32 s0, s3;
	s0 =	sld [smem:$0x3FAB]  }
0x30: {  	s3 =	sld [smem:$0x3FAE]  }
0x31: {  	[smem:$0x3FB7] =	sst s10  }
0x32: {  	s10 =	sld [smem:$0x3FB5];
	_ =	sdelay $0x3  }
0x33: {  	p0 =	seq.s32 s10, $0x1;
	s10 =	sld [smem:$0x3FB7];
	_ =	sdelay $0x3  }
0x34: {  	[smem:$0x3FB7] =	sst s10  }
0x35: {  	s10 =	sld [smem:$0x3FB6];
	_ =	sdelay $0x3  }
0x36: {  	p1 =	seq.s32 s10, $0x1;
	s10 =	sld [smem:$0x3FB7];
	_ =	sdelay $0x3  }
0x37: {  	[smem:$0x3FB7] =	sst s10  }
0x38: {  	s10 =	sld [smem:$0x3FB8]  }
0x39: {  	_ = 	snop;
	(pc) =	sbr.ind lr, $3  }
0x3a: {  	_ = 	snop  }
0x3b: {  	_ = 	snop  }
0x3c: {  	p2 =	seq.s32 s10, $0x1;
	s10 =	sld [smem:$0x3FB7]  }
0x3d: {  	_ =	shalt  }
0x3e: {  	_ =	shalt  }
0x3f: {  	_ =	shalt  }
0x40: {  	_ =	shalt  }
0x41: {  	_ =	shalt  }
0x42: {  	_ =	shalt  }
0x43: {  	_ =	shalt  }
0x44: {  	_ =	shalt  }
0x45: {  	_ =	shalt  }
0x46: {  	_ =	shalt  }
0x47: {  	_ =	shalt  }
0x48: {  	_ =	shalt  }
0x49: {  	_ =	shalt  }
0x4a: {  	_ =	shalt  }
0x4b: {  	_ =	shalt  }
0x4c: {  	_ =	shalt  }
0x4d: {  	_ =	shalt  }
0x4e: {  	_ =	shalt  }
0x4f: {  	_ =	shalt  }
0x50: {  	_ =	shalt  }
0x51: {  	_ =	shalt  }
0x52: {  	_ =	shalt  }
0x53: {  	_ =	shalt  }
0x54: {  	_ =	shalt  }
0x55: {  	_ =	shalt  }
0x56: {  	_ =	shalt  }
0x57: {  	_ =	shalt  }
0x58: {  	_ =	shalt  }
0x59: {  	_ =	shalt  }
0x5a: {  	_ =	shalt  }
0x5b: {  	_ =	shalt  }
0x5c: {  	_ =	shalt  }
0x5d: {  	_ =	shalt  }
0x5e: {  	_ =	shalt  }
0x5f: {  	_ =	shalt  }
0x60: {  	_ =	shalt  }
0x61: {  	_ =	shalt  }
0x62: {  	_ =	shalt  }
0x63: {  	_ =	shalt  }
0x64: {  	_ =	shalt  }
0x65: {  	_ =	shalt  }
0x66: {  	_ =	shalt  }
0x67: {  	_ =	shalt  }
0x68: {  	_ =	shalt  }
0x69: {  	_ =	shalt  }
0x6a: {  	_ =	shalt  }
0x6b: {  	_ =	shalt  }
0x6c: {  	_ =	shalt  }
0x6d: {  	_ =	shalt  }
0x6e: {  	_ =	shalt  }
0x6f: {  	_ =	shalt  }
0x70: {  	_ =	shalt  }
0x71: {  	_ =	shalt  }
0x72: {  	_ =	shalt  }
0x73: {  	_ =	shalt  }
0x74: {  	_ =	shalt  }
0x75: {  	_ =	shalt  }
0x76: {  	_ =	shalt  }
0x77: {  	_ =	shalt  }
0x78: {  	_ =	shalt  }
0x79: {  	_ =	shalt  }
0x7a: {  	_ =	shalt  }
0x7b: {  	_ =	shalt  }
0x7c: {  	_ =	shalt  }
0x7d: {  	_ =	shalt  }
0x7e: {  	_ =	shalt  }
0x7f: {  	_ =	shalt  }
0x80: {  	_ =	shalt  }
0x81: {  	_ =	shalt  }
0x82: {  	_ =	shalt  }
0x83: {  	_ =	shalt  }
0x84: {  	_ =	shalt  }
0x85: {  	_ =	shalt  }
0x86: {  	_ =	shalt  }
0x87: {  	_ =	shalt  }
.Lfunc_end0:
.L_simem_size_0:
called_computation_lowered:
.L_overlay_start_0:
0x88: {  	s2 =	sld [smem:$0x3FD9]  }
0x89: {  	s3 =	sld [smem:$0x3FFE];
	_ =	sdelay $0x1  }
0x8a: {  	s1 =	srdreg.scid  }
0x8b: {  	s0 =	sand.u32 $0x1, s1  }
0x8c: {  	s17 =	sshll.u32 s0, $0xA;
	s2 =	sadd.s32 s3, s2  }
0x8d: {  	s2 =	sadd.s32 s2, s17  }
0x8e: {  	[smem:$0x3FC3] =	sst s2  }
0x8f: {  	_ = 	snop  }
0x90: {  	s2 =	sld [smem:$0x3FD0];
	(tm) =	ssettm $0x1  }
0x91: {  	s18 =	sld [smem:$0x3FFB];
	_ =	sdelay $0x3  }
0x92: {  	_ =	strace s18  }
0x93: {  	s3 =	sld [smem:$0x3FFC];
	_ =	sdelay $0x3  }
0x94: {  	_ =	strace s3  }
0x95: {  	s3 =	sld [smem:$0x3FFD];
	_ =	sdelay $0x3  }
0x96: {  	_ =	strace s3  }
0x97: {  	_ =	strace $0x8FFFFFFF  }
0x98: {  	s19 =	sld [smem:$0x3FDB];
	_ =	sdelay $0x1  }
0x99: {  	s4 =	simm.s32 $_scs_section_size  }
0x9a: {  	s5 =	simm.s32 $_size__tile_overlayer_lowered;
	s6 =	simm.s32 $_tile_overlayer_lowered  }
0x9b: {  	s22 =	simm.s32 $0x1BFF;
	s21 =	sshll.u32 s6, $0x1;
	s3 =	sadd.s32 s4, s19  }
0x9c: {  	s7 =	simm.s32 $0x0;
	s20 =	sshll.u32 s5, $0x1;
	s5 =	sadd.s32 s21, s3  }
0x9d: {  	[timem:s7], [sflag:s22] =	dma.local [hbm:s5], s20  }
0x9e: {  	_ =	swait.ge [sflag:s22], s20  }
0x9f: {  	s4 =	ssub.s32 $0x0, s20;
	[sflag:s22] =	ssyncset.done $0x0  }
0xa0: {  	[sflag:s22] =	ssyncadd.s32 s4;
	_ =	sdelay $0x1  }
0xa1: {  	s23 =	simm.s32 $0x1B8B  }
0xa2: {  	_ =	swait.ge [sflag:s23], $0x1  }
0xa3: {  	[sflag:s23] =	ssyncset.done $0x0  }
0xa4: {  	s25 =	simm.s32 $0x1B8E;
	s24 =	sld [smem:$0x3FFE];
	[sflag:s23] =	ssyncadd.s32 $0xFFFFFFFF  }
0xa5: {  	s26 =	simm.s32 $execute0_lowered;
	[smem:$0x3FD2] =	sst s25  }
0xa6: {  	s5 =	sshll.u32 s26, $0x1;
	_ =	strace $0x80000046;
	[dreg:$0x1] =	wrdreg $0xFFFFFFFF  }
0xa7: {  	s28 =	simm.s32 $_size_execute0_lowered;
	s3 =	sadd.s32 s3, s5;
	[dreg:$0x0] =	wrdreg $0x0  }
0xa8: {  	s5 =	sshll.u32 s28, $0x1;
	[dreg:$0x2] =	wrdreg s3  }
0xa9: {  	[dreg:$0x3] =	wrdreg s5  }
0xaa: {  	[dreg:$0x4] =	wrdreg $0xC0  }
0xab: {  	_ =	task [dreg:s7], $0x5FFFF  }
0xac: {  	[dreg:$0x1] =	wrdreg $0xFFFFFFFF  }
0xad: {  	[dreg:$0x0] =	wrdreg $0x60  }
0xae: {  	[dreg:$0x2] =	wrdreg s2  }
0xaf: {  	[dreg:$0x3] =	wrdreg s24  }
0xb0: {  	[dreg:$0x4] =	wrdreg $0x9  }
0xb1: {  	_ =	task.clear_ibuf [dreg:s7], $0x5FFFF;
	_ =	strace $0x90000046  }
0xb2: {  	s29 =	simm.s32 $0x9;
	_ =	strace $0x80000048  }
0xb3: {  	_ =	swait.ge [sflag:s29], $0x1  }
0xb4: {  	[sflag:s29] =	ssyncadd.s32 $0xFFFFFFFF  }
0xb5: {  	_ =	strace $0x90000048  }
0xb6: {  	_ =	sfence  }
0xb7: {  	s30 =	sld [smem:$0x0];
	_ =	sdelay $0x2  }
0xb8: {  	s31 =	sshll.u32 s1, $0xD;
	s1 =	sshrl.u32 s1, $0x2  }
0xb9: {  	s3 =	sand.u32 $0x4000, s31;
	s1 =	sadd.s32 s1, s30  }
0xba: {  	s0 =	sor.u32 s3, s0;
	s1 =	sshll.u32 s1, $0x11  }
0xbb: {  	s0 =	sor.u32 s1, s0  }
0xbc: {  	s0 =	sadd.s32 $0x8F2B, s0  }
0xbd: {  	[sflag:s0] =	ssyncadd.remote.s32 $0x1  }
0xbe: {  	_ =	sfence.sel $0xFFFF  }
0xbf: {  	[dreg:$0x0] =	wrdreg $0xFFFFFFFF;
	(pc) =	sbr.abs _section_cstart, $3  }
0xc0: {  	[dreg:$0x1] =	wrdreg $0xFFFFFFFF  }
0xc1: {  	_ =	task.clear_ibuf [dreg:s7], $0x2FFFF;
	_ =	strace $0x9FFFFFFF  }
0xc2: {  	(tm) =	ssettm $0x7FFFFFFF  }
0xc3: {  	_ =	shalt  }
tec
execute0_lowered:
.L_overlay_start_1:
0x0: {  	(tag) =	ssettag $0x1  }
0x1: {  	s1 =	stileid.u32  }
0x2: {  	p0 =	sgt.u32 s1, $0x7  }
.Ltmp0:
0x3: {  	_ = 	snop;
	(pc) =	sbr.rel @p0 .LBB2_4-.Ltmp0, $4  }
0x4: {  	s2 =	rddreg [dreg:$0x0]  }
0x5: {  	s13 =	rddreg [dreg:$0x1];
	s3 =	simm.s32 $0x0  }
0x6: {  	[smem:$0x7FF] =	sst s3  }
0x7: {  	s0 =	rddreg [dreg:$0x2];
	_ =	strace $0x80000047  }
0x8: {  	s4 =	srdreg.scid  }
0x9: {  	[tilespmem:s3], [sflag:$0x2] =	stream.linear.gather [hbm4b:s2+s3], $0x800, $0x38;
	[tilespmem:$0x880] =	vst v63  }
0xa: {  	s24 =	sshll.u32 s1, $0x1;
	s5 =	simm.s32 $0x2;
	s31 =	sand.u32 $0x1, s4  }
0xb: {  	_ =	swait.ge [sflag:s5], $0x800;
	s14 =	sor.u32 s31, s24  }
0xc: {  	[sflag:s5] =	ssyncset.done $0x0;
	s4 =	sshll.u32 s14, $0x4  }
0xd: {  	[sflag:s5] =	ssyncadd.s32 $0xFFFFF800;
	s15 =	sor.u32 $0x100, s4  }
0xe: {  	s12 =	sand.u32 $0x70, s4;
	s16 =	sor.u32 $0x200, s4;
	s6 =	sand.u32 $0x180, s15  }
0xf: {  	s18 =	sor.u32 $0x300, s4;
	v0 =	vld [tilespmem:s4+$0x0];
	s7 =	sand.u32 $0x280, s16;
	s6 =	sor.u32 s12, s6  }
0x10: {  	s20 =	sor.u32 $0x400, s4;
	s8 =	sand.u32 $0x380, s18;
	s7 =	sor.u32 s12, s7;
	v1 =	vld [tilespmem:s6+$0x0]  }
0x11: {  	s22 =	sor.u32 $0x500, s4;
	s9 =	sand.u32 $0x480, s20;
	s8 =	sor.u32 s12, s8;
	v2 =	vld [tilespmem:s7+$0x0]  }
0x12: {  	s24 =	sor.u32 $0x600, s4;
	s10 =	sand.u32 $0x580, s22;
	s9 =	sor.u32 s12, s9;
	v3 =	vld [tilespmem:s8+$0x0]  }
0x13: {  	s28 =	sor.u32 $0x700, s4;
	s11 =	sand.u32 $0x680, s24;
	s10 =	sor.u32 s12, s10;
	v4 =	vld [tilespmem:s9+$0x0]  }
0x14: {  	s17 =	sand.u32 $0x780, s28;
	s11 =	sor.u32 s12, s11;
	v5 =	vld [tilespmem:s10+$0x0]  }
0x15: {  	s12 =	sor.u32 s12, s17;
	v6 =	vld [tilespmem:s11+$0x0];
	v7 =	vmax.f32 v0, v1  }
0x16: {  	v8 =	vld [tilespmem:s12+$0x0];
	v7 =	vmax.f32 v7, v2  }
0x17: {  	v7 =	vmax.f32 v7, v3  }
0x18: {  	v7 =	vmax.f32 v7, v4  }
0x19: {  	v7 =	vmax.f32 v7, v5  }
0x1a: {  	v7 =	vmax.f32 v7, v6  }
0x1b: {  	v7 =	vmax.f32 v7, v8  }
0x1c: {  	v0 =	vsub.f32 v0, v7  }
0x1d: {  	v1 =	vsub.f32 v1, v7  }
0x1e: {  	v0 =	vmul.f32 $1.442695020e+00, v0  }
0x1f: {  	v2 =	vsub.f32 v2, v7;
	v1 =	vmul.f32 $1.442695020e+00, v1  }
0x20: {  	(erf) = vpow2.f32 v0  }
0x21: {  	v2 =	vmul.f32 $1.442695020e+00, v2;
	v0 =	vsub.f32 v3, v7;
	(erf) = vpow2.f32 v1;
	_ =	sdelay $0x1  }
0x22: {  	v1 =	vsub.f32 v4, v7;
	v0 =	vmul.f32 $1.442695020e+00, v0;
	(erf) = vpow2.f32 v2  }
0x23: {  	v2 =	vsub.f32 v5, v7  }
0x24: {  	v1 =	vmul.f32 $1.442695020e+00, v1;
	(erf) = vpow2.f32 v0  }
0x25: {  	v0 =	vsub.f32 v6, v7;
	v2 =	vmul.f32 $1.442695020e+00, v2  }
0x26: {  	(erf) = vpow2.f32 v1  }
0x27: {  	v1 =	vsub.f32 v8, v7;
	v0 =	vmul.f32 $1.442695020e+00, v0  }
0x28: {  	v3 =	vpop (erf);
	(erf) = vpow2.f32 v2  }
0x29: {  	v1 =	vmul.f32 $1.442695020e+00, v1;
	v2 =	vpop (erf)  }
0x2a: {  	(erf) = vpow2.f32 v0;
	v43 =	vadd.f32 v2, v3  }
0x2b: {  	v0 =	vpop (erf)  }
0x2c: {  	(erf) = vpow2.f32 v1;
	v4 =	vadd.f32 v43, v0  }
0x2d: {  	v1 =	vpop (erf)  }
0x2e: {  	v4 =	vadd.f32 v4, v1  }
0x2f: {  	v44 =	vpop (erf)  }
0x30: {  	v4 =	vadd.f32 v4, v44  }
0x31: {  	v45 =	vpop (erf)  }
0x32: {  	v4 =	vadd.f32 v4, v45  }
0x33: {  	v46 =	vpop (erf)  }
0x34: {  	v4 =	vadd.f32 v4, v46  }
0x35: {  	v47 =	vpop (erf)  }
0x36: {  	v4 =	vadd.f32 v4, v47;
	_ =	sdelay $0x1  }
0x37: {  	(erf) = vrcp.f32 v4;
	_ =	sdelay $0x8  }
0x38: {  	v4 =	vpop (erf)  }
0x39: {  	v3 =	vmul.f32 v4, v3;
	v2 =	vmul.f32 v4, v2  }
0x3a: {  	v9 =	vmul.f32 v4, v0  }
0x3b: {  	v1 =	vmul.f32 v4, v1;
	v0 =	vmax.f32 v3, v2  }
0x3c: {  	v5 =	vmul.f32 v4, v44;
	v0 =	vmax.f32 v0, v9  }
0x3d: {  	v6 =	vmul.f32 v4, v45;
	v0 =	vmax.f32 v0, v1  }
0x3e: {  	v7 =	vmul.f32 v4, v46;
	v0 =	vmax.f32 v0, v5  }
0x3f: {  	v4 =	vmul.f32 v4, v47;
	v0 =	vmax.f32 v0, v6  }
0x40: {  	v0 =	vmax.f32 v0, v7  }
0x41: {  	v8 =	vmax.f32 v0, v4  }
0x42: {  	v0 =	vimm.s32 $0x8;
	vm0 =	veq.f32 v4, v8  }
0x43: {  	vm1 =	veq.f32 v7, v8;
	v10 =	vsel vm0, $0x7, v0  }
0x44: {  	vm6 =	veq.f32 v6, v8;
	v10 =	vsel vm1, $0x6, v10  }
0x45: {  	vm7 =	veq.f32 v5, v8;
	v10 =	vsel vm6, $0x5, v10  }
0x46: {  	vm8 =	veq.f32 v1, v8;
	v10 =	vsel vm7, $0x4, v10  }
0x47: {  	vm9 =	veq.f32 v9, v8;
	v10 =	vsel vm8, $0x3, v10  }
0x48: {  	vm10 =	veq.f32 v2, v8;
	v10 =	vsel vm9, $0x2, v10  }
0x49: {  	vm11 =	vne.f32 v3, v8;
	v10 =	vsel vm10, $0x1, v10  }
0x4a: {  	vm1 =	vmand vm11, vm10;
	v10 =	vnsel vm11, $0x0, v10  }
0x4b: {  	v3 =	vnsel vm11, $0xBF800000, v3;
	v2 =	vsel vm1, $0xBF800000, v2;
	vm2 =	veq.s32 v10, $0x2  }
0x4c: {  	v11 =	vmax.f32 v3, v2;
	vm3 =	veq.s32 v10, $0x3;
	v9 =	vsel vm2, $0xBF800000, v9  }
0x4d: {  	vm4 =	veq.s32 v10, $0x4;
	v1 =	vsel vm3, $0xBF800000, v1;
	v11 =	vmax.f32 v11, v9  }
0x4e: {  	vm5 =	veq.s32 v10, $0x5;
	v5 =	vsel vm4, $0xBF800000, v5;
	v11 =	vmax.f32 v11, v1  }
0x4f: {  	vm6 =	veq.s32 v10, $0x6;
	v6 =	vsel vm5, $0xBF800000, v6;
	v11 =	vmax.f32 v11, v5  }
0x50: {  	vm7 =	veq.s32 v10, $0x7;
	v7 =	vsel vm6, $0xBF800000, v7;
	v48 =	vmax.f32 v11, v6  }
0x51: {  	v4 =	vsel vm7, $0xBF800000, v4;
	v10 =	vmax.f32 v48, v7  }
0x52: {  	v49 =	vsel vm11, $0x0, v8;
	v51 =	vnsel vm1, $0x0, v8;
	v10 =	vmax.f32 v10, v4  }
0x53: {  	v13 =	vnsel vm2, $0x0, v8;
	vm12 =	veq.f32 v4, v10;
	v50 =	vadd.f32 v10, v8  }
0x54: {  	v14 =	vnsel vm3, $0x0, v8;
	vm13 =	veq.f32 v7, v10;
	v12 =	vsel vm12, $0x7, v0  }
0x55: {  	vm14 =	veq.f32 v6, v10;
	v12 =	vsel vm13, $0x6, v12;
	(erf) = vrcp.f32 v50  }
0x56: {  	v52 =	vnsel vm6, $0x0, v8;
	vm15 =	veq.f32 v5, v10;
	v53 =	vsel vm14, $0x5, v12  }
0x57: {  	v54 =	vnsel vm5, $0x0, v8;
	vm6 =	veq.f32 v1, v10;
	v1 =	vsel vm15, $0x4, v53  }
0x58: {  	v55 =	vnsel vm4, $0x0, v8;
	vm8 =	veq.f32 v9, v10;
	v1 =	vsel vm6, $0x3, v1  }
0x59: {  	vm9 =	veq.f32 v2, v10;
	vm10 =	vne.f32 v3, v10;
	v1 =	vsel vm8, $0x2, v1  }
0x5a: {  	v2 =	vnsel vm7, $0x0, v8;
	vm0 =	vmand vm10, vm9;
	v1 =	vsel vm9, $0x1, v1  }
0x5b: {  	v3 =	vsel vm10, $0x0, v10;
	v56 =	vnsel vm0, $0x0, v10;
	v1 =	vnsel vm10, $0x0, v1  }
0x5c: {  	v3 =	vadd.f32 v3, v49;
	v7 =	vadd.f32 v56, v51;
	vm11 =	veq.s32 v1, $0x2  }
0x5d: {  	vm1 =	veq.s32 v1, $0x3;
	vm12 =	veq.s32 v1, $0x5;
	vm13 =	veq.s32 v1, $0x6  }
0x5e: {  	vm14 =	veq.s32 v1, $0x4;
	vm15 =	veq.s32 v1, $0x7;
	v57 =	vnsel vm11, $0x0, v10;
	v59 =	vpop (erf)  }
0x5f: {  	v61 =	vnsel vm12, $0x0, v10;
	v8 =	vadd.f32 v57, v13;
	v3 =	vmul.f32 v3, v59  }
0x60: {  	v58 =	vnsel vm1, $0x0, v10;
	v6 =	vadd.f32 v61, v54;
	v7 =	vmul.f32 v7, v59  }
0x61: {  	v62 =	vnsel vm15, $0x0, v10;
	v9 =	vadd.f32 v58, v14;
	v1 =	vmul.f32 v8, v59;
	[tilespmem:$0x800] =	vst v3  }
0x62: {  	v60 =	vnsel vm13, $0x0, v10;
	v2 =	vadd.f32 v62, v2;
	v63 =	vmul.f32 v6, v59;
	[tilespmem:$0x810] =	vst v7  }
0x63: {  	v4 =	vadd.f32 v60, v52;
	v3 =	vmul.f32 v9, v59;
	[tilespmem:$0x820] =	vst v1;
	v1 =	vnsel vm14, $0x0, v10  }
0x64: {  	v2 =	vmul.f32 v2, v59;
	[tilespmem:$0x850] =	vst v63;
	v1 =	vadd.f32 v1, v55  }
0x65: {  	[tilespmem:$0x830] =	vst v3;
	v3 =	vmul.f32 v4, v59  }
0x66: {  	[tilespmem:$0x870] =	vst v2;
	v1 =	vmul.f32 v1, v59  }
0x67: {  	s29 =	sadd.s32 $0x600, s13;
	s25 =	sshll.u32 s14, $0x1;
	[tilespmem:$0x860] =	vst v3  }
0x68: {  	s14 =	simm.s32 $0x800;
	s13 =	sadd.s32 s29, s25;
	s15 =	sshrl.u32 s15, $0x3;
	[tilespmem:$0x840] =	vst v1  }
0x69: {  	[hbm4b:s13+s3] =	stream.linear.scatter [tilespmem:s14], [sflag:$0x1], $0x10, $0x38;
	[tilespmem:$0x880] =	vst v63  }
0x6a: {  	s26 =	sshrl.u32 s16, $0x3;
	s16 =	simm.s32 $0x810;
	s15 =	sadd.s32 s29, s15  }
0x6b: {  	[hbm4b:s15+s3] =	stream.linear.scatter [tilespmem:s16], [sflag:$0x1], $0x10, $0x38;
	[tilespmem:$0x880] =	vst v63  }
0x6c: {  	s19 =	sshrl.u32 s18, $0x3;
	s18 =	simm.s32 $0x820;
	s17 =	sadd.s32 s29, s26  }
0x6d: {  	[hbm4b:s17+s3] =	stream.linear.scatter [tilespmem:s18], [sflag:$0x1], $0x10, $0x38;
	[tilespmem:$0x880] =	vst v63  }
0x6e: {  	s21 =	sshrl.u32 s20, $0x3;
	s20 =	simm.s32 $0x830;
	s19 =	sadd.s32 s29, s19  }
0x6f: {  	[hbm4b:s19+s3] =	stream.linear.scatter [tilespmem:s20], [sflag:$0x1], $0x10, $0x38;
	[tilespmem:$0x880] =	vst v63  }
0x70: {  	s23 =	sshrl.u32 s22, $0x3;
	s22 =	simm.s32 $0x840;
	s21 =	sadd.s32 s29, s21  }
0x71: {  	[hbm4b:s21+s3] =	stream.linear.scatter [tilespmem:s22], [sflag:$0x1], $0x10, $0x38;
	[tilespmem:$0x880] =	vst v63  }
0x72: {  	s25 =	simm.s32 $0x850;
	s24 =	sshrl.u32 s24, $0x3;
	s23 =	sadd.s32 s29, s23  }
0x73: {  	[hbm4b:s23+s3] =	stream.linear.scatter [tilespmem:s25], [sflag:$0x1], $0x10, $0x38;
	[tilespmem:$0x880] =	vst v63  }
0x74: {  	s0 =	sshrl.u32 s28, $0x3;
	s28 =	simm.s32 $0x860;
	s26 =	sadd.s32 s29, s24  }
0x75: {  	[hbm4b:s26+s3] =	stream.linear.scatter [tilespmem:s28], [sflag:$0x1], $0x10, $0x38;
	[tilespmem:$0x880] =	vst v63  }
0x76: {  	s30 =	simm.s32 $0x870;
	s29 =	sadd.s32 s29, s0;
	s24 =	simm.s32 $0x1  }
0x77: {  	[hbm4b:s29+s3] =	stream.linear.scatter [tilespmem:s30], [sflag:$0x1], $0x10, $0x38;
	[tilespmem:$0x880] =	vst v63  }
0x78: {  	_ =	swait.ge [sflag:s24], $0x10  }
0x79: {  	[sflag:s24] =	ssyncset.done $0x0  }
0x7a: {  	[sflag:s24] =	ssyncadd.s32 $0xFFFFFFF0  }
0x7b: {  	_ =	swait.ge [sflag:s24], $0x10  }
0x7c: {  	s31 =	ssub.s32 $0x2, s31;
	[sflag:s24] =	ssyncset.done $0x0  }
0x7d: {  	s0 =	sshrl.u32 s31, $0x1;
	[sflag:s24] =	ssyncadd.s32 $0xFFFFFFF0  }
0x7e: {  	s0 =	ssub.s32 s31, s0;
	_ =	swait.ge [sflag:s24], $0x10  }
0x7f: {  	s0 =	smax.u32 s0, $0x1;
	[sflag:s24] =	ssyncset.done $0x0  }
0x80: {  	p0 =	sne.s32 s0, $0x1;
	[sflag:s24] =	ssyncadd.s32 $0xFFFFFFF0  }
.Ltmp1:
0x81: {  	_ =	swait.ge [sflag:s24], $0x10;
	(pc) =	sbr.rel @!p0 .LBB2_3-.Ltmp1, $4  }
0x82: {  	[sflag:s24] =	ssyncset.done $0x0  }
0x83: {  	[sflag:s24] =	ssyncadd.s32 $0xFFFFFFF0  }
0x84: {  	_ =	swait.ge [sflag:s24], $0x10  }
0x85: {  	s31 =	sadd.s32 $0xFFFFFFFF, s0;
	[sflag:s24] =	ssyncset.done $0x0  }
.LBB2_2:
0x86: {  	p0 =	sne.s32 s31, $0x1;
	s31 =	sadd.s32 $0xFFFFFFFF, s31;
	[sflag:s24] =	ssyncadd.s32 $0xFFFFFFF0  }
0x87: {  	_ =	swait.ge [sflag:s24], $0x10  }
0x88: {  	[sflag:s24] =	ssyncset.done $0x0  }
0x89: {  	[sflag:s24] =	ssyncadd.s32 $0xFFFFFFF0  }
0x8a: {  	_ =	swait.ge [sflag:s24], $0x10  }
0x8b: {  	[sflag:s24] =	ssyncset.done $0x0  }
0x8c: {  	[sflag:s24] =	ssyncadd.s32 $0xFFFFFFF0  }
0x8d: {  	_ =	swait.ge [sflag:s24], $0x10  }
0x8e: {  	[sflag:s24] =	ssyncset.done $0x0  }
0x8f: {  	[sflag:s24] =	ssyncadd.s32 $0xFFFFFFF0  }
0x90: {  	[tilespmem:s3], [sflag:$0x2] =	stream.linear.gather [hbm4b:s2+s3], $0x800, $0x38;
	[tilespmem:$0x880] =	vst v63  }
0x91: {  	_ =	swait.ge [sflag:s5], $0x800  }
0x92: {  	[sflag:s5] =	ssyncset.done $0x0  }
0x93: {  	[sflag:s5] =	ssyncadd.s32 $0xFFFFF800  }
0x94: {  	v1 =	vld [tilespmem:s4+$0x0]  }
0x95: {  	v2 =	vld [tilespmem:s6+$0x0]  }
0x96: {  	v3 =	vld [tilespmem:s7+$0x0]  }
0x97: {  	v4 =	vld [tilespmem:s8+$0x0]  }
0x98: {  	v5 =	vld [tilespmem:s9+$0x0]  }
0x99: {  	v6 =	vld [tilespmem:s10+$0x0]  }
0x9a: {  	v7 =	vld [tilespmem:s11+$0x0];
	v8 =	vmax.f32 v1, v2  }
0x9b: {  	v9 =	vld [tilespmem:s12+$0x0];
	v8 =	vmax.f32 v8, v3  }
0x9c: {  	v8 =	vmax.f32 v8, v4  }
0x9d: {  	v8 =	vmax.f32 v8, v5  }
0x9e: {  	v8 =	vmax.f32 v8, v6  }
0x9f: {  	v8 =	vmax.f32 v8, v7  }
0xa0: {  	v8 =	vmax.f32 v8, v9  }
0xa1: {  	v1 =	vsub.f32 v1, v8;
	v2 =	vsub.f32 v2, v8  }
0xa2: {  	v3 =	vsub.f32 v3, v8;
	v4 =	vsub.f32 v4, v8  }
0xa3: {  	v5 =	vsub.f32 v5, v8;
	v1 =	vmul.f32 $1.442695020e+00, v1;
	v2 =	vmul.f32 $1.442695020e+00, v2  }
0xa4: {  	v6 =	vsub.f32 v6, v8;
	v7 =	vsub.f32 v7, v8;
	v3 =	vmul.f32 $1.442695020e+00, v3  }
0xa5: {  	v8 =	vsub.f32 v9, v8;
	v5 =	vmul.f32 $1.442695020e+00, v5;
	(erf) = vpow2.f32 v1  }
0xa6: {  	v1 =	vmul.f32 $1.442695020e+00, v6;
	(erf) = vpow2.f32 v2  }
0xa7: {  	v6 =	vmul.f32 $1.442695020e+00, v8;
	v2 =	vmul.f32 $1.442695020e+00, v7  }
0xa8: {  	v4 =	vmul.f32 $1.442695020e+00, v4;
	(erf) = vpow2.f32 v3;
	_ =	sdelay $0x1  }
0xa9: {  	(erf) = vpow2.f32 v4;
	_ =	sdelay $0x1  }
0xaa: {  	(erf) = vpow2.f32 v5;
	_ =	sdelay $0x1  }
0xab: {  	v3 =	vpop (erf);
	(erf) = vpow2.f32 v1  }
0xac: {  	v1 =	vpop (erf)  }
0xad: {  	v4 =	vadd.f32 v1, v3;
	(erf) = vpow2.f32 v2  }
0xae: {  	v2 =	vpop (erf)  }
0xaf: {  	v4 =	vadd.f32 v4, v2;
	(erf) = vpow2.f32 v6  }
0xb0: {  	v5 =	vpop (erf)  }
0xb1: {  	v4 =	vadd.f32 v4, v5  }
0xb2: {  	v6 =	vpop (erf)  }
0xb3: {  	v4 =	vadd.f32 v4, v6  }
0xb4: {  	v7 =	vpop (erf)  }
0xb5: {  	v4 =	vadd.f32 v4, v7  }
0xb6: {  	v8 =	vpop (erf)  }
0xb7: {  	v4 =	vadd.f32 v4, v8  }
0xb8: {  	v9 =	vpop (erf)  }
0xb9: {  	v4 =	vadd.f32 v4, v9;
	_ =	sdelay $0x1  }
0xba: {  	(erf) = vrcp.f32 v4;
	_ =	sdelay $0x8  }
0xbb: {  	v4 =	vpop (erf)  }
0xbc: {  	v3 =	vmul.f32 v4, v3;
	v1 =	vmul.f32 v4, v1  }
0xbd: {  	v2 =	vmul.f32 v4, v2  }
0xbe: {  	v5 =	vmul.f32 v4, v5;
	v10 =	vmax.f32 v3, v1  }
0xbf: {  	v6 =	vmul.f32 v4, v6;
	v10 =	vmax.f32 v10, v2  }
0xc0: {  	v7 =	vmul.f32 v4, v7;
	v10 =	vmax.f32 v10, v5  }
0xc1: {  	v8 =	vmul.f32 v4, v8;
	v10 =	vmax.f32 v10, v6  }
0xc2: {  	v4 =	vmul.f32 v4, v9;
	v9 =	vmax.f32 v10, v7  }
0xc3: {  	v9 =	vmax.f32 v9, v8  }
0xc4: {  	v9 =	vmax.f32 v9, v4  }
0xc5: {  	vm0 =	veq.f32 v4, v9;
	vm1 =	veq.f32 v8, v9;
	vm2 =	vne.f32 v3, v9  }
0xc6: {  	vm3 =	veq.f32 v2, v9;
	v10 =	vsel vm0, $0x7, v0;
	vm0 =	veq.f32 v5, v9  }
0xc7: {  	vm4 =	veq.f32 v1, v9;
	v10 =	vsel vm1, $0x6, v10;
	vm1 =	veq.f32 v7, v9  }
0xc8: {  	vm5 =	vmand vm2, vm4;
	v10 =	vsel vm1, $0x5, v10;
	vm1 =	veq.f32 v6, v9  }
0xc9: {  	v3 =	vnsel vm2, $0xBF800000, v3;
	v1 =	vsel vm5, $0xBF800000, v1;
	v10 =	vsel vm1, $0x4, v10  }
0xca: {  	v11 =	vsel vm2, $0x0, v9;
	v12 =	vnsel vm5, $0x0, v9;
	v10 =	vsel vm0, $0x3, v10  }
0xcb: {  	v10 =	vsel vm3, $0x2, v10  }
0xcc: {  	v10 =	vsel vm4, $0x1, v10  }
0xcd: {  	v13 =	vmax.f32 v3, v1;
	v10 =	vnsel vm2, $0x0, v10  }
0xce: {  	vm0 =	veq.s32 v10, $0x2;
	vm1 =	veq.s32 v10, $0x4;
	vm2 =	veq.s32 v10, $0x5  }
0xcf: {  	vm3 =	veq.s32 v10, $0x3;
	v2 =	vsel vm0, $0xBF800000, v2;
	v6 =	vsel vm1, $0xBF800000, v6  }
0xd0: {  	vm4 =	veq.s32 v10, $0x6;
	v5 =	vsel vm3, $0xBF800000, v5;
	v13 =	vmax.f32 v13, v2  }
0xd1: {  	vm5 =	veq.s32 v10, $0x7;
	v10 =	vmax.f32 v13, v5;
	v13 =	vnsel vm0, $0x0, v9  }
0xd2: {  	v7 =	vsel vm2, $0xBF800000, v7;
	v14 =	vnsel vm3, $0x0, v9;
	v10 =	vmax.f32 v10, v6  }
0xd3: {  	v8 =	vsel vm4, $0xBF800000, v8;
	v15 =	vnsel vm4, $0x0, v9;
	v10 =	vmax.f32 v10, v7  }
0xd4: {  	v4 =	vsel vm5, $0xBF800000, v4;
	v16 =	vnsel vm2, $0x0, v9;
	v10 =	vmax.f32 v10, v8  }
0xd5: {  	v17 =	vnsel vm1, $0x0, v9;
	v18 =	vnsel vm5, $0x0, v9;
	v10 =	vmax.f32 v10, v4  }
0xd6: {  	vm0 =	veq.f32 v4, v10;
	vm1 =	veq.f32 v6, v10;
	v4 =	vadd.f32 v10, v9  }
0xd7: {  	vm2 =	veq.f32 v5, v10;
	v6 =	vsel vm0, $0x7, v0;
	vm0 =	veq.f32 v8, v10  }
0xd8: {  	v5 =	vsel vm0, $0x6, v6;
	vm0 =	veq.f32 v7, v10;
	(erf) = vrcp.f32 v4  }
0xd9: {  	v4 =	vsel vm0, $0x5, v5;
	vm0 =	veq.f32 v2, v10  }
0xda: {  	v2 =	vsel vm1, $0x4, v4  }
0xdb: {  	v2 =	vsel vm2, $0x3, v2  }
0xdc: {  	vm1 =	vne.f32 v3, v10;
	v2 =	vsel vm0, $0x2, v2;
	vm0 =	veq.f32 v1, v10  }
0xdd: {  	v1 =	vsel vm0, $0x1, v2;
	v2 =	vsel vm1, $0x0, v10;
	vm0 =	vmand vm1, vm0  }
0xde: {  	v1 =	vnsel vm1, $0x0, v1;
	v2 =	vadd.f32 v2, v11;
	v3 =	vnsel vm0, $0x0, v10  }
0xdf: {  	v3 =	vadd.f32 v3, v12;
	vm0 =	veq.s32 v1, $0x2;
	vm1 =	veq.s32 v1, $0x3  }
0xe0: {  	vm2 =	veq.s32 v1, $0x6;
	v4 =	vnsel vm0, $0x0, v10;
	vm0 =	veq.s32 v1, $0x5  }
0xe1: {  	v5 =	vnsel vm1, $0x0, v10;
	vm1 =	veq.s32 v1, $0x4;
	v4 =	vadd.f32 v4, v13;
	v6 =	vpop (erf)  }
0xe2: {  	vm3 =	veq.s32 v1, $0x7;
	v5 =	vadd.f32 v5, v14;
	v2 =	vmul.f32 v2, v6  }
0xe3: {  	v7 =	vnsel vm2, $0x0, v10;
	v1 =	vmul.f32 v4, v6;
	v4 =	vnsel vm0, $0x0, v10  }
0xe4: {  	[tilespmem:$0x800] =	vst v2;
	v2 =	vmul.f32 v5, v6;
	v4 =	vadd.f32 v4, v16;
	v5 =	vadd.f32 v7, v15  }
0xe5: {  	v3 =	vmul.f32 v3, v6;
	v7 =	vnsel vm3, $0x0, v10;
	[tilespmem:$0x820] =	vst v1;
	v1 =	vnsel vm1, $0x0, v10  }
0xe6: {  	[tilespmem:$0x830] =	vst v2;
	v1 =	vadd.f32 v1, v17;
	v2 =	vmul.f32 v4, v6;
	v4 =	vmul.f32 v5, v6  }
0xe7: {  	[tilespmem:$0x810] =	vst v3;
	v3 =	vadd.f32 v7, v18  }
0xe8: {  	v1 =	vmul.f32 v1, v6;
	[tilespmem:$0x860] =	vst v4  }
0xe9: {  	[tilespmem:$0x850] =	vst v2;
	v2 =	vmul.f32 v3, v6  }
0xea: {  	[tilespmem:$0x840] =	vst v1  }
0xeb: {  	[tilespmem:$0x870] =	vst v2  }
0xec: {  	[hbm4b:s13+s3] =	stream.linear.scatter [tilespmem:s14], [sflag:$0x1], $0x10, $0x38;
	[tilespmem:$0x880] =	vst v63  }
0xed: {  	_ = 	snop  }
0xee: {  	[hbm4b:s15+s3] =	stream.linear.scatter [tilespmem:s16], [sflag:$0x1], $0x10, $0x38;
	[tilespmem:$0x880] =	vst v63  }
0xef: {  	_ = 	snop  }
0xf0: {  	[hbm4b:s17+s3] =	stream.linear.scatter [tilespmem:s18], [sflag:$0x1], $0x10, $0x38;
	[tilespmem:$0x880] =	vst v63  }
0xf1: {  	_ = 	snop  }
0xf2: {  	[hbm4b:s19+s3] =	stream.linear.scatter [tilespmem:s20], [sflag:$0x1], $0x10, $0x38;
	[tilespmem:$0x880] =	vst v63  }
0xf3: {  	_ = 	snop  }
0xf4: {  	[hbm4b:s21+s3] =	stream.linear.scatter [tilespmem:s22], [sflag:$0x1], $0x10, $0x38;
	[tilespmem:$0x880] =	vst v63  }
0xf5: {  	_ = 	snop  }
0xf6: {  	[hbm4b:s23+s3] =	stream.linear.scatter [tilespmem:s25], [sflag:$0x1], $0x10, $0x38;
	[tilespmem:$0x880] =	vst v63  }
0xf7: {  	_ = 	snop  }
0xf8: {  	[hbm4b:s26+s3] =	stream.linear.scatter [tilespmem:s28], [sflag:$0x1], $0x10, $0x38;
	[tilespmem:$0x880] =	vst v63  }
0xf9: {  	_ = 	snop  }
0xfa: {  	[hbm4b:s29+s3] =	stream.linear.scatter [tilespmem:s30], [sflag:$0x1], $0x10, $0x38;
	[tilespmem:$0x880] =	vst v63  }
0xfb: {  	_ =	swait.ge [sflag:s24], $0x10  }
0xfc: {  	[sflag:s24] =	ssyncset.done $0x0  }
0xfd: {  	[sflag:s24] =	ssyncadd.s32 $0xFFFFFFF0  }
0xfe: {  	_ =	swait.ge [sflag:s24], $0x10  }
0xff: {  	[sflag:s24] =	ssyncset.done $0x0  }
0x100: {  	[sflag:s24] =	ssyncadd.s32 $0xFFFFFFF0  }
0x101: {  	_ =	swait.ge [sflag:s24], $0x10  }
0x102: {  	[sflag:s24] =	ssyncset.done $0x0  }
0x103: {  	[sflag:s24] =	ssyncadd.s32 $0xFFFFFFF0  }
.Ltmp2:
0x104: {  	_ =	swait.ge [sflag:s24], $0x10;
	(pc) =	sbr.rel @p0 .LBB2_2-.Ltmp2, $4  }
0x105: {  	[sflag:s24] =	ssyncset.done $0x0  }
0x106: {  	[sflag:s24] =	ssyncadd.s32 $0xFFFFFFF0  }
0x107: {  	_ =	swait.ge [sflag:s24], $0x10  }
0x108: {  	[sflag:s24] =	ssyncset.done $0x0  }
.LBB2_3:
0x109: {  	[sflag:s24] =	ssyncadd.s32 $0xFFFFFFF0  }
0x10a: {  	_ =	swait.ge [sflag:s24], $0x10  }
0x10b: {  	[sflag:s24] =	ssyncset.done $0x0  }
0x10c: {  	[sflag:s24] =	ssyncadd.s32 $0xFFFFFFF0  }
0x10d: {  	_ =	swait.ge [sflag:s24], $0x10  }
0x10e: {  	[sflag:s24] =	ssyncset.done $0x0  }
0x10f: {  	[sflag:s24] =	ssyncadd.s32 $0xFFFFFFF0  }
0x110: {  	_ =	swait.ge [sflag:s24], $0x10  }
0x111: {  	[sflag:s24] =	ssyncset.done $0x0  }
0x112: {  	[sflag:s24] =	ssyncadd.s32 $0xFFFFFFF0  }
0x113: {  	s0 =	rddreg [dreg:$0x2]  }
.LBB2_4:
0x114: {  	_ =	sfence.sel $0x180000  }
0x115: {  	[bflag:$0x0] =	sbarrier.arrive $0xFFFF  }
0x116: {  	p0 =	sne.s32 s1, $0x0;
	_ =	strace $0x90000047  }
0x117: {  	s0 =	sadd.s32 @!p0 $0x100000, s0;
	[bflag:$0x2] =	sbarrier.arrive $0xFFFF  }
0x118: {  	[sflag:s0] =	ssyncadd.tile.s32 @!p0 $0x1;
	_ =	shalt  }
.Lfunc_end2:
_tile_overlayer_lowered:
.L_overlay_start_2:
0x119: {  	(tag) =	ssettag $0x2  }
0x11a: {  	s0 =	rddreg [dreg:$0x0];
	s2 =	stileid.u32  }
0x11b: {  	s1 =	rddreg [dreg:$0x1];
	p0 =	sne.s32 s2, $0x0  }
0x11c: {  	s3 =	rddreg [dreg:$0x2];
	[bflag:$0x3] =	sbarrier.arrive $0xFFFF;
	s2 =	simm.s32 @!p0 $0x1C02  }
0x11d: {  	[timem:s3], [sflag:s2] =	dma.local @!p0 [hbm:s0], s1  }
0x11e: {  	s0 =	simm.s32 @!p0 $0x2  }
0x11f: {  	_ =	swait.ge @!p0 [sflag:s0], s1  }
0x120: {  	s1 =	ssub.s32 @!p0 $0x0, s1;
	[sflag:s0] =	ssyncset.done @!p0 $0x0  }
0x121: {  	[sflag:s0] =	ssyncadd.s32 @!p0 s1  }
0x122: {  	[bflag:$0x3] =	sbarrier.arrive $0xFFFF  }
0x123: {  	_ =	shalt  }

</sc_bundles>
